<compile_context>
chip_gen: v7x
topology: tpu7x:2x2x1
jax: 0.10.2.dev20260603
libtpu: 0.0.44.dev20260713+nightly
codegen_flags: <defaults>
</compile_context>

<pallas_src>
import jax
import jax.numpy as jnp
from jax import lax
from jax.experimental import pallas as pl
from jax.experimental.pallas import tpu as pltpu
from jax.experimental.pallas import tpu_sc as plsc

NC = 2
NS = 16
NW = NC * NS

HIDDEN = 64
CHUNK = 128
K = 10


def _gather_kernel(n_total):
    n_chunks = n_total // CHUNK
    per_w = n_chunks // NW
    supers = per_w // K
    assert per_w * NW == n_chunks and supers * K == per_w

    mesh = plsc.VectorSubcoreMesh(core_axis_name="c", subcore_axis_name="s")

    @pl.kernel(
        mesh=mesh,
        compiler_params=pltpu.CompilerParams(use_tc_tiling_on_sc=False),
        out_type=jax.ShapeDtypeStruct((n_total, HIDDEN), jnp.float32),
        scratch_types=(
            [pltpu.VMEM((per_w, CHUNK), jnp.int32)]
            + [pltpu.VMEM((CHUNK, HIDDEN), jnp.float32)] * K
            + [pltpu.SemaphoreType.DMA] * (2 * K)
        ),
    )
    def k(idx_hbm, table_hbm, out_hbm, idx_v, *rest):
        bufs = rest[:K]
        gsems = rest[K:2 * K]
        wsems = rest[2 * K:3 * K]
        wid = lax.axis_index("s") * NC + lax.axis_index("c")
        base = wid * per_w
        pltpu.sync_copy(idx_hbm.at[wid], idx_v)

        for b in range(K):
            pltpu.async_copy(table_hbm.at[idx_v.at[b]], bufs[b], gsems[b])

        def super_step(s, _):
            for b in range(K):
                j = s * K + b
                dst = out_hbm.at[pl.ds((base + j) * CHUNK, CHUNK)]
                pltpu.make_async_copy(
                    table_hbm.at[idx_v.at[j]], bufs[b], gsems[b]).wait()
                pltpu.async_copy(bufs[b], dst, wsems[b])

                @pl.when(s < supers - 1)
                def _prefetch(b=b, j=j, dst=dst):
                    pltpu.make_async_copy(bufs[b], dst, wsems[b]).wait()
                    pltpu.async_copy(
                        table_hbm.at[idx_v.at[j + K]], bufs[b], gsems[b])
            return 0

        lax.fori_loop(0, supers, super_step, 0)

        for b in range(K):
            drain_dst = out_hbm.at[pl.ds(base * CHUNK, CHUNK)]
            pltpu.make_async_copy(bufs[b], drain_dst, wsems[b]).wait()

    return k


def kernel(batch, positions, mask, table):
    del positions, mask
    B, L = batch.shape
    n_total = B * L
    idx = batch.reshape(NW, n_total // (NW * CHUNK), CHUNK).astype(jnp.int32)
    out = _gather_kernel(n_total)(idx, table)
    return out.reshape(B, L, HIDDEN)

# --- scband reference (transcript-rebuilt; emitter-appended) ---
"""Pipeline reference for scband-kelso-model-17557826306164 (READ-ONLY COPY).

The authoritative reference and input builder live on the scoring server;
editing this copy changes nothing except your own understanding.
"""

import jax, jax.numpy as jnp
import numpy as np

VOCAB = 1000000
HIDDEN = 64
B = 4096
L = 50

def setup_inputs(seed: int = 0) -> dict:
    key = jax.random.key(seed)
    k1, k2, k3 = jax.random.split(key, 3)
    batch = jax.random.randint(k1, (B, L), 0, VOCAB, dtype=jnp.int64 if jax.config.jax_enable_x64 else jnp.int32).astype(jnp.int32)
    positions = jax.random.randint(k2, (B, L), 0, L).astype(jnp.int32)
    mask = jnp.ones((B, L), dtype=bool)
    table = jax.random.normal(k3, (VOCAB, HIDDEN), dtype=jnp.float32) * 0.02
    return {"batch": batch, "positions": positions, "mask": mask, "table": table}

def reference(batch, positions, mask, table):
    # Kelso_Model.forward: validate shapes, then embedding lookup.
    if batch.shape != positions.shape:
        raise ValueError(f'position size should be equal to batch size. Expected: {batch.shape}, received: {positions.shape}')
    embeddings = jnp.take(table, batch, axis=0)
    # decoder layers are no-ops in the source module; embeddings is the computed tensor
    return embeddings

if __name__ == "__main__":
    import jax
    _d = setup_inputs()
    print(jax.jit(kernel)(*tuple(_d.values())))

</pallas_src>

<mosaic_0001>
#map = affine_map<(d0, d1) -> (0, 0, 0)>
#map1 = affine_map<(d0, d1) -> (0, 0)>
module attributes {stable_mosaic.version = 14 : i64} {
  func.func @k(%arg0: i32, %arg1: i32, %arg2: memref<32x50x128xi32, #tpu.memory_space<hbm>>, %arg3: memref<1000000x64xf32, #tpu.memory_space<hbm>>, %arg4: memref<204800x64xf32, #tpu.memory_space<hbm>>, %arg5: memref<50x128xi32, #tpu.memory_space<vmem>>, %arg6: memref<128x64xf32, #tpu.memory_space<vmem>>, %arg7: memref<128x64xf32, #tpu.memory_space<vmem>>, %arg8: memref<128x64xf32, #tpu.memory_space<vmem>>, %arg9: memref<128x64xf32, #tpu.memory_space<vmem>>, %arg10: memref<128x64xf32, #tpu.memory_space<vmem>>, %arg11: memref<128x64xf32, #tpu.memory_space<vmem>>, %arg12: memref<128x64xf32, #tpu.memory_space<vmem>>, %arg13: memref<128x64xf32, #tpu.memory_space<vmem>>, %arg14: memref<128x64xf32, #tpu.memory_space<vmem>>, %arg15: memref<128x64xf32, #tpu.memory_space<vmem>>, %arg16: memref<!tpu.dma_semaphore, #tpu.memory_space<semaphore_mem>>, %arg17: memref<!tpu.dma_semaphore, #tpu.memory_space<semaphore_mem>>, %arg18: memref<!tpu.dma_semaphore, #tpu.memory_space<semaphore_mem>>, %arg19: memref<!tpu.dma_semaphore, #tpu.memory_space<semaphore_mem>>, %arg20: memref<!tpu.dma_semaphore, #tpu.memory_space<semaphore_mem>>, %arg21: memref<!tpu.dma_semaphore, #tpu.memory_space<semaphore_mem>>, %arg22: memref<!tpu.dma_semaphore, #tpu.memory_space<semaphore_mem>>, %arg23: memref<!tpu.dma_semaphore, #tpu.memory_space<semaphore_mem>>, %arg24: memref<!tpu.dma_semaphore, #tpu.memory_space<semaphore_mem>>, %arg25: memref<!tpu.dma_semaphore, #tpu.memory_space<semaphore_mem>>, %arg26: memref<!tpu.dma_semaphore, #tpu.memory_space<semaphore_mem>>, %arg27: memref<!tpu.dma_semaphore, #tpu.memory_space<semaphore_mem>>, %arg28: memref<!tpu.dma_semaphore, #tpu.memory_space<semaphore_mem>>, %arg29: memref<!tpu.dma_semaphore, #tpu.memory_space<semaphore_mem>>, %arg30: memref<!tpu.dma_semaphore, #tpu.memory_space<semaphore_mem>>, %arg31: memref<!tpu.dma_semaphore, #tpu.memory_space<semaphore_mem>>, %arg32: memref<!tpu.dma_semaphore, #tpu.memory_space<semaphore_mem>>, %arg33: memref<!tpu.dma_semaphore, #tpu.memory_space<semaphore_mem>>, %arg34: memref<!tpu.dma_semaphore, #tpu.memory_space<semaphore_mem>>, %arg35: memref<!tpu.dma_semaphore, #tpu.memory_space<semaphore_mem>>) attributes {dimension_semantics = [#tpu.dimension_semantics<core_parallel>, #tpu.dimension_semantics<subcore_parallel>], iteration_bounds = array<i64: 2, 16>, scalar_prefetch = 0 : i64, scratch_operands = 31 : i64, tpu.core_type = #tpu.core_type<sc_vector_subcore>, window_params = [{transform_indices = #map}, {transform_indices = #map1}, {transform_indices = #map1}]} {
    %mul3A = arith.constant 2 : i32
    %mul3A_0 = arith.muli %arg1, %mul3A : i32
    %add3A = arith.addi %mul3A_0, %arg0 : i32
    %mul3A_1 = arith.constant 50 : i32
    %mul3A_2 = arith.muli %add3A, %mul3A_1 : i32
    "tpu.region"() ({
      %run_scoped3A = tpu.sem_alloc : memref<!tpu.dma_semaphore, #tpu.memory_space<semaphore_mem>>
      %dma_start3A_137 = arith.constant 0 : i32
      %dma_start3A_138 = arith.constant 0 : i32
      %dma_start3A_139 = tpu.memref_slice %arg2[%add3A, %dma_start3A_137, %dma_start3A_138] : memref<32x50x128xi32, #tpu.memory_space<hbm>> -> memref<1x50x128xi32, #tpu.memory_space<hbm>>
      %dma_start3A_140 = tpu.memref_squeeze %dma_start3A_139 : memref<1x50x128xi32, #tpu.memory_space<hbm>> -> memref<50x128xi32, #tpu.memory_space<hbm>>
      %dma_start3A_141 = arith.constant 0 : i32
      %dma_start3A_142 = arith.constant 0 : i32
      %dma_start3A_143 = tpu.memref_slice %arg2[%add3A, %dma_start3A_141, %dma_start3A_142] : memref<32x50x128xi32, #tpu.memory_space<hbm>> -> memref<1x50x128xi32, #tpu.memory_space<hbm>>
      %dma_start3A_144 = tpu.memref_squeeze %dma_start3A_143 : memref<1x50x128xi32, #tpu.memory_space<hbm>> -> memref<50x128xi32, #tpu.memory_space<hbm>>
      tpu.enqueue_dma source(%dma_start3A_144 : memref<50x128xi32, #tpu.memory_space<hbm>>) target(%arg5 : memref<50x128xi32, #tpu.memory_space<vmem>>) target_semaphore(%run_scoped3A : memref<!tpu.dma_semaphore, #tpu.memory_space<semaphore_mem>>)
      %dma_wait3A_145 = arith.constant 0 : i32
      %dma_wait3A_146 = arith.constant 0 : i32
      %dma_wait3A_147 = tpu.memref_slice %arg2[%add3A, %dma_wait3A_145, %dma_wait3A_146] : memref<32x50x128xi32, #tpu.memory_space<hbm>> -> memref<1x50x128xi32, #tpu.memory_space<hbm>>
      %dma_wait3A_148 = tpu.memref_squeeze %dma_wait3A_147 : memref<1x50x128xi32, #tpu.memory_space<hbm>> -> memref<50x128xi32, #tpu.memory_space<hbm>>
      %dma_wait3A_149 = arith.constant 0 : i32
      %dma_wait3A_150 = arith.constant 0 : i32
      %dma_wait3A_151 = tpu.memref_slice %arg2[%add3A, %dma_wait3A_149, %dma_wait3A_150] : memref<32x50x128xi32, #tpu.memory_space<hbm>> -> memref<1x50x128xi32, #tpu.memory_space<hbm>>
      %dma_wait3A_152 = tpu.memref_squeeze %dma_wait3A_151 : memref<1x50x128xi32, #tpu.memory_space<hbm>> -> memref<50x128xi32, #tpu.memory_space<hbm>>
      tpu.wait_dma2 semaphore(%run_scoped3A : memref<!tpu.dma_semaphore, #tpu.memory_space<semaphore_mem>>) src(%dma_wait3A_152 : memref<50x128xi32, #tpu.memory_space<hbm>>) dst(%arg5 : memref<50x128xi32, #tpu.memory_space<vmem>>)
      tpu.yield
    }) : () -> ()
    %dma_start3A = arith.constant 0 : i32
    %dma_start3A_3 = arith.constant 0 : i32
    %dma_start3A_4 = tpu.memref_slice %arg5[%dma_start3A, %dma_start3A_3] : memref<50x128xi32, #tpu.memory_space<vmem>> -> memref<1x128xi32, #tpu.memory_space<vmem>>
    %dma_start3A_5 = tpu.memref_squeeze %dma_start3A_4 : memref<1x128xi32, #tpu.memory_space<vmem>> -> memref<128xi32, #tpu.memory_space<vmem>>
    %dma_start3A_6 = arith.constant 0 : i32
    %dma_start3A_7 = arith.constant 0 : i32
    %dma_start3A_8 = tpu.memref_slice %arg3[%dma_start3A_6, %dma_start3A_7] : memref<1000000x64xf32, #tpu.memory_space<hbm>> -> memref<1000000x64xf32, #tpu.memory_space<hbm>>
    tpu.enqueue_indirect_dma source(%dma_start3A_8 : memref<1000000x64xf32, #tpu.memory_space<hbm>>) target(%arg6 : memref<128x64xf32, #tpu.memory_space<vmem>>) offsets(%dma_start3A_5 : memref<128xi32, #tpu.memory_space<vmem>>) semaphore(%arg16 : memref<!tpu.dma_semaphore, #tpu.memory_space<semaphore_mem>>)
    %dma_start3A_9 = arith.constant 1 : i32
    %dma_start3A_10 = arith.constant 0 : i32
    %dma_start3A_11 = tpu.memref_slice %arg5[%dma_start3A_9, %dma_start3A_10] : memref<50x128xi32, #tpu.memory_space<vmem>> -> memref<1x128xi32, #tpu.memory_space<vmem>>
    %dma_start3A_12 = tpu.memref_squeeze %dma_start3A_11 : memref<1x128xi32, #tpu.memory_space<vmem>> -> memref<128xi32, #tpu.memory_space<vmem>>
    %dma_start3A_13 = arith.constant 0 : i32
    %dma_start3A_14 = arith.constant 0 : i32
    %dma_start3A_15 = tpu.memref_slice %arg3[%dma_start3A_13, %dma_start3A_14] : memref<1000000x64xf32, #tpu.memory_space<hbm>> -> memref<1000000x64xf32, #tpu.memory_space<hbm>>
    tpu.enqueue_indirect_dma source(%dma_start3A_15 : memref<1000000x64xf32, #tpu.memory_space<hbm>>) target(%arg7 : memref<128x64xf32, #tpu.memory_space<vmem>>) offsets(%dma_start3A_12 : memref<128xi32, #tpu.memory_space<vmem>>) semaphore(%arg17 : memref<!tpu.dma_semaphore, #tpu.memory_space<semaphore_mem>>)
    %dma_start3A_16 = arith.constant 2 : i32
    %dma_start3A_17 = arith.constant 0 : i32
    %dma_start3A_18 = tpu.memref_slice %arg5[%dma_start3A_16, %dma_start3A_17] : memref<50x128xi32, #tpu.memory_space<vmem>> -> memref<1x128xi32, #tpu.memory_space<vmem>>
    %dma_start3A_19 = tpu.memref_squeeze %dma_start3A_18 : memref<1x128xi32, #tpu.memory_space<vmem>> -> memref<128xi32, #tpu.memory_space<vmem>>
    %dma_start3A_20 = arith.constant 0 : i32
    %dma_start3A_21 = arith.constant 0 : i32
    %dma_start3A_22 = tpu.memref_slice %arg3[%dma_start3A_20, %dma_start3A_21] : memref<1000000x64xf32, #tpu.memory_space<hbm>> -> memref<1000000x64xf32, #tpu.memory_space<hbm>>
    tpu.enqueue_indirect_dma source(%dma_start3A_22 : memref<1000000x64xf32, #tpu.memory_space<hbm>>) target(%arg8 : memref<128x64xf32, #tpu.memory_space<vmem>>) offsets(%dma_start3A_19 : memref<128xi32, #tpu.memory_space<vmem>>) semaphore(%arg18 : memref<!tpu.dma_semaphore, #tpu.memory_space<semaphore_mem>>)
    %dma_start3A_23 = arith.constant 3 : i32
    %dma_start3A_24 = arith.constant 0 : i32
    %dma_start3A_25 = tpu.memref_slice %arg5[%dma_start3A_23, %dma_start3A_24] : memref<50x128xi32, #tpu.memory_space<vmem>> -> memref<1x128xi32, #tpu.memory_space<vmem>>
    %dma_start3A_26 = tpu.memref_squeeze %dma_start3A_25 : memref<1x128xi32, #tpu.memory_space<vmem>> -> memref<128xi32, #tpu.memory_space<vmem>>
    %dma_start3A_27 = arith.constant 0 : i32
    %dma_start3A_28 = arith.constant 0 : i32
    %dma_start3A_29 = tpu.memref_slice %arg3[%dma_start3A_27, %dma_start3A_28] : memref<1000000x64xf32, #tpu.memory_space<hbm>> -> memref<1000000x64xf32, #tpu.memory_space<hbm>>
    tpu.enqueue_indirect_dma source(%dma_start3A_29 : memref<1000000x64xf32, #tpu.memory_space<hbm>>) target(%arg9 : memref<128x64xf32, #tpu.memory_space<vmem>>) offsets(%dma_start3A_26 : memref<128xi32, #tpu.memory_space<vmem>>) semaphore(%arg19 : memref<!tpu.dma_semaphore, #tpu.memory_space<semaphore_mem>>)
    %dma_start3A_30 = arith.constant 4 : i32
    %dma_start3A_31 = arith.constant 0 : i32
    %dma_start3A_32 = tpu.memref_slice %arg5[%dma_start3A_30, %dma_start3A_31] : memref<50x128xi32, #tpu.memory_space<vmem>> -> memref<1x128xi32, #tpu.memory_space<vmem>>
    %dma_start3A_33 = tpu.memref_squeeze %dma_start3A_32 : memref<1x128xi32, #tpu.memory_space<vmem>> -> memref<128xi32, #tpu.memory_space<vmem>>
    %dma_start3A_34 = arith.constant 0 : i32
    %dma_start3A_35 = arith.constant 0 : i32
    %dma_start3A_36 = tpu.memref_slice %arg3[%dma_start3A_34, %dma_start3A_35] : memref<1000000x64xf32, #tpu.memory_space<hbm>> -> memref<1000000x64xf32, #tpu.memory_space<hbm>>
    tpu.enqueue_indirect_dma source(%dma_start3A_36 : memref<1000000x64xf32, #tpu.memory_space<hbm>>) target(%arg10 : memref<128x64xf32, #tpu.memory_space<vmem>>) offsets(%dma_start3A_33 : memref<128xi32, #tpu.memory_space<vmem>>) semaphore(%arg20 : memref<!tpu.dma_semaphore, #tpu.memory_space<semaphore_mem>>)
    %dma_start3A_37 = arith.constant 5 : i32
    %dma_start3A_38 = arith.constant 0 : i32
    %dma_start3A_39 = tpu.memref_slice %arg5[%dma_start3A_37, %dma_start3A_38] : memref<50x128xi32, #tpu.memory_space<vmem>> -> memref<1x128xi32, #tpu.memory_space<vmem>>
    %dma_start3A_40 = tpu.memref_squeeze %dma_start3A_39 : memref<1x128xi32, #tpu.memory_space<vmem>> -> memref<128xi32, #tpu.memory_space<vmem>>
    %dma_start3A_41 = arith.constant 0 : i32
    %dma_start3A_42 = arith.constant 0 : i32
    %dma_start3A_43 = tpu.memref_slice %arg3[%dma_start3A_41, %dma_start3A_42] : memref<1000000x64xf32, #tpu.memory_space<hbm>> -> memref<1000000x64xf32, #tpu.memory_space<hbm>>
    tpu.enqueue_indirect_dma source(%dma_start3A_43 : memref<1000000x64xf32, #tpu.memory_space<hbm>>) target(%arg11 : memref<128x64xf32, #tpu.memory_space<vmem>>) offsets(%dma_start3A_40 : memref<128xi32, #tpu.memory_space<vmem>>) semaphore(%arg21 : memref<!tpu.dma_semaphore, #tpu.memory_space<semaphore_mem>>)
    %dma_start3A_44 = arith.constant 6 : i32
    %dma_start3A_45 = arith.constant 0 : i32
    %dma_start3A_46 = tpu.memref_slice %arg5[%dma_start3A_44, %dma_start3A_45] : memref<50x128xi32, #tpu.memory_space<vmem>> -> memref<1x128xi32, #tpu.memory_space<vmem>>
    %dma_start3A_47 = tpu.memref_squeeze %dma_start3A_46 : memref<1x128xi32, #tpu.memory_space<vmem>> -> memref<128xi32, #tpu.memory_space<vmem>>
    %dma_start3A_48 = arith.constant 0 : i32
    %dma_start3A_49 = arith.constant 0 : i32
    %dma_start3A_50 = tpu.memref_slice %arg3[%dma_start3A_48, %dma_start3A_49] : memref<1000000x64xf32, #tpu.memory_space<hbm>> -> memref<1000000x64xf32, #tpu.memory_space<hbm>>
    tpu.enqueue_indirect_dma source(%dma_start3A_50 : memref<1000000x64xf32, #tpu.memory_space<hbm>>) target(%arg12 : memref<128x64xf32, #tpu.memory_space<vmem>>) offsets(%dma_start3A_47 : memref<128xi32, #tpu.memory_space<vmem>>) semaphore(%arg22 : memref<!tpu.dma_semaphore, #tpu.memory_space<semaphore_mem>>)
    %dma_start3A_51 = arith.constant 7 : i32
    %dma_start3A_52 = arith.constant 0 : i32
    %dma_start3A_53 = tpu.memref_slice %arg5[%dma_start3A_51, %dma_start3A_52] : memref<50x128xi32, #tpu.memory_space<vmem>> -> memref<1x128xi32, #tpu.memory_space<vmem>>
    %dma_start3A_54 = tpu.memref_squeeze %dma_start3A_53 : memref<1x128xi32, #tpu.memory_space<vmem>> -> memref<128xi32, #tpu.memory_space<vmem>>
    %dma_start3A_55 = arith.constant 0 : i32
    %dma_start3A_56 = arith.constant 0 : i32
    %dma_start3A_57 = tpu.memref_slice %arg3[%dma_start3A_55, %dma_start3A_56] : memref<1000000x64xf32, #tpu.memory_space<hbm>> -> memref<1000000x64xf32, #tpu.memory_space<hbm>>
    tpu.enqueue_indirect_dma source(%dma_start3A_57 : memref<1000000x64xf32, #tpu.memory_space<hbm>>) target(%arg13 : memref<128x64xf32, #tpu.memory_space<vmem>>) offsets(%dma_start3A_54 : memref<128xi32, #tpu.memory_space<vmem>>) semaphore(%arg23 : memref<!tpu.dma_semaphore, #tpu.memory_space<semaphore_mem>>)
    %dma_start3A_58 = arith.constant 8 : i32
    %dma_start3A_59 = arith.constant 0 : i32
    %dma_start3A_60 = tpu.memref_slice %arg5[%dma_start3A_58, %dma_start3A_59] : memref<50x128xi32, #tpu.memory_space<vmem>> -> memref<1x128xi32, #tpu.memory_space<vmem>>
    %dma_start3A_61 = tpu.memref_squeeze %dma_start3A_60 : memref<1x128xi32, #tpu.memory_space<vmem>> -> memref<128xi32, #tpu.memory_space<vmem>>
    %dma_start3A_62 = arith.constant 0 : i32
    %dma_start3A_63 = arith.constant 0 : i32
    %dma_start3A_64 = tpu.memref_slice %arg3[%dma_start3A_62, %dma_start3A_63] : memref<1000000x64xf32, #tpu.memory_space<hbm>> -> memref<1000000x64xf32, #tpu.memory_space<hbm>>
    tpu.enqueue_indirect_dma source(%dma_start3A_64 : memref<1000000x64xf32, #tpu.memory_space<hbm>>) target(%arg14 : memref<128x64xf32, #tpu.memory_space<vmem>>) offsets(%dma_start3A_61 : memref<128xi32, #tpu.memory_space<vmem>>) semaphore(%arg24 : memref<!tpu.dma_semaphore, #tpu.memory_space<semaphore_mem>>)
    %dma_start3A_65 = arith.constant 9 : i32
    %dma_start3A_66 = arith.constant 0 : i32
    %dma_start3A_67 = tpu.memref_slice %arg5[%dma_start3A_65, %dma_start3A_66] : memref<50x128xi32, #tpu.memory_space<vmem>> -> memref<1x128xi32, #tpu.memory_space<vmem>>
    %dma_start3A_68 = tpu.memref_squeeze %dma_start3A_67 : memref<1x128xi32, #tpu.memory_space<vmem>> -> memref<128xi32, #tpu.memory_space<vmem>>
    %dma_start3A_69 = arith.constant 0 : i32
    %dma_start3A_70 = arith.constant 0 : i32
    %dma_start3A_71 = tpu.memref_slice %arg3[%dma_start3A_69, %dma_start3A_70] : memref<1000000x64xf32, #tpu.memory_space<hbm>> -> memref<1000000x64xf32, #tpu.memory_space<hbm>>
    tpu.enqueue_indirect_dma source(%dma_start3A_71 : memref<1000000x64xf32, #tpu.memory_space<hbm>>) target(%arg15 : memref<128x64xf32, #tpu.memory_space<vmem>>) offsets(%dma_start3A_68 : memref<128xi32, #tpu.memory_space<vmem>>) semaphore(%arg25 : memref<!tpu.dma_semaphore, #tpu.memory_space<semaphore_mem>>)
    %scan3A = arith.constant 0 : i32
    %scan3A_72 = arith.constant 0 : i32
    %scan3A_73 = arith.constant 5 : i32
    %scan3A_74 = arith.addi %scan3A_72, %scan3A_73 : i32
    %scan3A_75 = arith.constant 1 : i32
    %scan3A_76 = scf.for %scan3A_137 = %scan3A_72 to %scan3A_74 step %scan3A_75 iter_args(%scan3A_138 = %scan3A) -> (i32)  : i32 {
      %mul3A_139 = arith.constant 10 : i32
      %mul3A_140 = arith.muli %scan3A_137, %mul3A_139 : i32
      %add3A_141 = arith.constant 0 : i32
      %add3A_142 = arith.addi %mul3A_140, %add3A_141 : i32
      %add3A_143 = arith.addi %mul3A_2, %add3A_142 : i32
      %mul3A_144 = arith.constant 128 : i32
      %mul3A_145 = arith.muli %add3A_143, %mul3A_144 : i32
      %dma_wait3A_146 = arith.constant 0 : i32
      %dma_wait3A_147 = tpu.memref_slice %arg5[%add3A_142, %dma_wait3A_146] : memref<50x128xi32, #tpu.memory_space<vmem>> -> memref<1x128xi32, #tpu.memory_space<vmem>>
      %dma_wait3A_148 = tpu.memref_squeeze %dma_wait3A_147 : memref<1x128xi32, #tpu.memory_space<vmem>> -> memref<128xi32, #tpu.memory_space<vmem>>
      %dma_wait3A_149 = arith.constant 0 : i32
      %dma_wait3A_150 = arith.constant 0 : i32
      %dma_wait3A_151 = tpu.memref_slice %arg3[%dma_wait3A_149, %dma_wait3A_150] : memref<1000000x64xf32, #tpu.memory_space<hbm>> -> memref<1000000x64xf32, #tpu.memory_space<hbm>>
      tpu.wait_indirect_dma semaphore(%arg16 : memref<!tpu.dma_semaphore, #tpu.memory_space<semaphore_mem>>) src(%dma_wait3A_151 : memref<1000000x64xf32, #tpu.memory_space<hbm>>) dst(%arg6 : memref<128x64xf32, #tpu.memory_space<vmem>>)
      %dma_start3A_152 = arith.constant 0 : i32
      %dma_start3A_153 = tpu.memref_slice %arg4[%mul3A_145, %dma_start3A_152] : memref<204800x64xf32, #tpu.memory_space<hbm>> -> memref<128x64xf32, #tpu.memory_space<hbm>>
      %dma_start3A_154 = arith.constant 0 : i32
      %dma_start3A_155 = tpu.memref_slice %arg4[%mul3A_145, %dma_start3A_154] : memref<204800x64xf32, #tpu.memory_space<hbm>> -> memref<128x64xf32, #tpu.memory_space<hbm>>
      tpu.enqueue_dma source(%arg6 : memref<128x64xf32, #tpu.memory_space<vmem>>) target(%dma_start3A_155 : memref<128x64xf32, #tpu.memory_space<hbm>>) target_semaphore(%arg26 : memref<!tpu.dma_semaphore, #tpu.memory_space<semaphore_mem>>)
      %lt3A = arith.constant 4 : i32
      %lt3A_156 = arith.cmpi slt, %scan3A_137, %lt3A : i32
      %convert_element_type3A = arith.extui %lt3A_156 : i1 to i32
      %cond3A = arith.constant 0 : i32
      %cond3A_157 = arith.cmpi ne, %convert_element_type3A, %cond3A : i32
      scf.if %cond3A_157 {
        %dma_wait3A_357 = arith.constant 0 : i32
        %dma_wait3A_358 = tpu.memref_slice %arg4[%mul3A_145, %dma_wait3A_357] : memref<204800x64xf32, #tpu.memory_space<hbm>> -> memref<128x64xf32, #tpu.memory_space<hbm>>
        %dma_wait3A_359 = arith.constant 0 : i32
        %dma_wait3A_360 = tpu.memref_slice %arg4[%mul3A_145, %dma_wait3A_359] : memref<204800x64xf32, #tpu.memory_space<hbm>> -> memref<128x64xf32, #tpu.memory_space<hbm>>
        tpu.wait_dma2 semaphore(%arg26 : memref<!tpu.dma_semaphore, #tpu.memory_space<semaphore_mem>>) src(%arg6 : memref<128x64xf32, #tpu.memory_space<vmem>>) dst(%dma_wait3A_360 : memref<128x64xf32, #tpu.memory_space<hbm>>)
        %add3A_361 = arith.constant 10 : i32
        %add3A_362 = arith.addi %add3A_142, %add3A_361 : i32
        %dma_start3A_363 = arith.constant 0 : i32
        %dma_start3A_364 = tpu.memref_slice %arg5[%add3A_362, %dma_start3A_363] : memref<50x128xi32, #tpu.memory_space<vmem>> -> memref<1x128xi32, #tpu.memory_space<vmem>>
        %dma_start3A_365 = tpu.memref_squeeze %dma_start3A_364 : memref<1x128xi32, #tpu.memory_space<vmem>> -> memref<128xi32, #tpu.memory_space<vmem>>
        %dma_start3A_366 = arith.constant 0 : i32
        %dma_start3A_367 = arith.constant 0 : i32
        %dma_start3A_368 = tpu.memref_slice %arg3[%dma_start3A_366, %dma_start3A_367] : memref<1000000x64xf32, #tpu.memory_space<hbm>> -> memref<1000000x64xf32, #tpu.memory_space<hbm>>
        tpu.enqueue_indirect_dma source(%dma_start3A_368 : memref<1000000x64xf32, #tpu.memory_space<hbm>>) target(%arg6 : memref<128x64xf32, #tpu.memory_space<vmem>>) offsets(%dma_start3A_365 : memref<128xi32, #tpu.memory_space<vmem>>) semaphore(%arg16 : memref<!tpu.dma_semaphore, #tpu.memory_space<semaphore_mem>>)
      } else {
      }
      %mul3A_158 = arith.constant 10 : i32
      %mul3A_159 = arith.muli %scan3A_137, %mul3A_158 : i32
      %add3A_160 = arith.constant 1 : i32
      %add3A_161 = arith.addi %mul3A_159, %add3A_160 : i32
      %add3A_162 = arith.addi %mul3A_2, %add3A_161 : i32
      %mul3A_163 = arith.constant 128 : i32
      %mul3A_164 = arith.muli %add3A_162, %mul3A_163 : i32
      %dma_wait3A_165 = arith.constant 0 : i32
      %dma_wait3A_166 = tpu.memref_slice %arg5[%add3A_161, %dma_wait3A_165] : memref<50x128xi32, #tpu.memory_space<vmem>> -> memref<1x128xi32, #tpu.memory_space<vmem>>
      %dma_wait3A_167 = tpu.memref_squeeze %dma_wait3A_166 : memref<1x128xi32, #tpu.memory_space<vmem>> -> memref<128xi32, #tpu.memory_space<vmem>>
      %dma_wait3A_168 = arith.constant 0 : i32
      %dma_wait3A_169 = arith.constant 0 : i32
      %dma_wait3A_170 = tpu.memref_slice %arg3[%dma_wait3A_168, %dma_wait3A_169] : memref<1000000x64xf32, #tpu.memory_space<hbm>> -> memref<1000000x64xf32, #tpu.memory_space<hbm>>
      tpu.wait_indirect_dma semaphore(%arg17 : memref<!tpu.dma_semaphore, #tpu.memory_space<semaphore_mem>>) src(%dma_wait3A_170 : memref<1000000x64xf32, #tpu.memory_space<hbm>>) dst(%arg7 : memref<128x64xf32, #tpu.memory_space<vmem>>)
      %dma_start3A_171 = arith.constant 0 : i32
      %dma_start3A_172 = tpu.memref_slice %arg4[%mul3A_164, %dma_start3A_171] : memref<204800x64xf32, #tpu.memory_space<hbm>> -> memref<128x64xf32, #tpu.memory_space<hbm>>
      %dma_start3A_173 = arith.constant 0 : i32
      %dma_start3A_174 = tpu.memref_slice %arg4[%mul3A_164, %dma_start3A_173] : memref<204800x64xf32, #tpu.memory_space<hbm>> -> memref<128x64xf32, #tpu.memory_space<hbm>>
      tpu.enqueue_dma source(%arg7 : memref<128x64xf32, #tpu.memory_space<vmem>>) target(%dma_start3A_174 : memref<128x64xf32, #tpu.memory_space<hbm>>) target_semaphore(%arg27 : memref<!tpu.dma_semaphore, #tpu.memory_space<semaphore_mem>>)
      %lt3A_175 = arith.constant 4 : i32
      %lt3A_176 = arith.cmpi slt, %scan3A_137, %lt3A_175 : i32
      %convert_element_type3A_177 = arith.extui %lt3A_176 : i1 to i32
      %cond3A_178 = arith.constant 0 : i32
      %cond3A_179 = arith.cmpi ne, %convert_element_type3A_177, %cond3A_178 : i32
      scf.if %cond3A_179 {
        %dma_wait3A_357 = arith.constant 0 : i32
        %dma_wait3A_358 = tpu.memref_slice %arg4[%mul3A_164, %dma_wait3A_357] : memref<204800x64xf32, #tpu.memory_space<hbm>> -> memref<128x64xf32, #tpu.memory_space<hbm>>
        %dma_wait3A_359 = arith.constant 0 : i32
        %dma_wait3A_360 = tpu.memref_slice %arg4[%mul3A_164, %dma_wait3A_359] : memref<204800x64xf32, #tpu.memory_space<hbm>> -> memref<128x64xf32, #tpu.memory_space<hbm>>
        tpu.wait_dma2 semaphore(%arg27 : memref<!tpu.dma_semaphore, #tpu.memory_space<semaphore_mem>>) src(%arg7 : memref<128x64xf32, #tpu.memory_space<vmem>>) dst(%dma_wait3A_360 : memref<128x64xf32, #tpu.memory_space<hbm>>)
        %add3A_361 = arith.constant 10 : i32
        %add3A_362 = arith.addi %add3A_161, %add3A_361 : i32
        %dma_start3A_363 = arith.constant 0 : i32
        %dma_start3A_364 = tpu.memref_slice %arg5[%add3A_362, %dma_start3A_363] : memref<50x128xi32, #tpu.memory_space<vmem>> -> memref<1x128xi32, #tpu.memory_space<vmem>>
        %dma_start3A_365 = tpu.memref_squeeze %dma_start3A_364 : memref<1x128xi32, #tpu.memory_space<vmem>> -> memref<128xi32, #tpu.memory_space<vmem>>
        %dma_start3A_366 = arith.constant 0 : i32
        %dma_start3A_367 = arith.constant 0 : i32
        %dma_start3A_368 = tpu.memref_slice %arg3[%dma_start3A_366, %dma_start3A_367] : memref<1000000x64xf32, #tpu.memory_space<hbm>> -> memref<1000000x64xf32, #tpu.memory_space<hbm>>
        tpu.enqueue_indirect_dma source(%dma_start3A_368 : memref<1000000x64xf32, #tpu.memory_space<hbm>>) target(%arg7 : memref<128x64xf32, #tpu.memory_space<vmem>>) offsets(%dma_start3A_365 : memref<128xi32, #tpu.memory_space<vmem>>) semaphore(%arg17 : memref<!tpu.dma_semaphore, #tpu.memory_space<semaphore_mem>>)
      } else {
      }
      %mul3A_180 = arith.constant 10 : i32
      %mul3A_181 = arith.muli %scan3A_137, %mul3A_180 : i32
      %add3A_182 = arith.constant 2 : i32
      %add3A_183 = arith.addi %mul3A_181, %add3A_182 : i32
      %add3A_184 = arith.addi %mul3A_2, %add3A_183 : i32
      %mul3A_185 = arith.constant 128 : i32
      %mul3A_186 = arith.muli %add3A_184, %mul3A_185 : i32
      %dma_wait3A_187 = arith.constant 0 : i32
      %dma_wait3A_188 = tpu.memref_slice %arg5[%add3A_183, %dma_wait3A_187] : memref<50x128xi32, #tpu.memory_space<vmem>> -> memref<1x128xi32, #tpu.memory_space<vmem>>
      %dma_wait3A_189 = tpu.memref_squeeze %dma_wait3A_188 : memref<1x128xi32, #tpu.memory_space<vmem>> -> memref<128xi32, #tpu.memory_space<vmem>>
      %dma_wait3A_190 = arith.constant 0 : i32
      %dma_wait3A_191 = arith.constant 0 : i32
      %dma_wait3A_192 = tpu.memref_slice %arg3[%dma_wait3A_190, %dma_wait3A_191] : memref<1000000x64xf32, #tpu.memory_space<hbm>> -> memref<1000000x64xf32, #tpu.memory_space<hbm>>
      tpu.wait_indirect_dma semaphore(%arg18 : memref<!tpu.dma_semaphore, #tpu.memory_space<semaphore_mem>>) src(%dma_wait3A_192 : memref<1000000x64xf32, #tpu.memory_space<hbm>>) dst(%arg8 : memref<128x64xf32, #tpu.memory_space<vmem>>)
      %dma_start3A_193 = arith.constant 0 : i32
      %dma_start3A_194 = tpu.memref_slice %arg4[%mul3A_186, %dma_start3A_193] : memref<204800x64xf32, #tpu.memory_space<hbm>> -> memref<128x64xf32, #tpu.memory_space<hbm>>
      %dma_start3A_195 = arith.constant 0 : i32
      %dma_start3A_196 = tpu.memref_slice %arg4[%mul3A_186, %dma_start3A_195] : memref<204800x64xf32, #tpu.memory_space<hbm>> -> memref<128x64xf32, #tpu.memory_space<hbm>>
      tpu.enqueue_dma source(%arg8 : memref<128x64xf32, #tpu.memory_space<vmem>>) target(%dma_start3A_196 : memref<128x64xf32, #tpu.memory_space<hbm>>) target_semaphore(%arg28 : memref<!tpu.dma_semaphore, #tpu.memory_space<semaphore_mem>>)
      %lt3A_197 = arith.constant 4 : i32
      %lt3A_198 = arith.cmpi slt, %scan3A_137, %lt3A_197 : i32
      %convert_element_type3A_199 = arith.extui %lt3A_198 : i1 to i32
      %cond3A_200 = arith.constant 0 : i32
      %cond3A_201 = arith.cmpi ne, %convert_element_type3A_199, %cond3A_200 : i32
      scf.if %cond3A_201 {
        %dma_wait3A_357 = arith.constant 0 : i32
        %dma_wait3A_358 = tpu.memref_slice %arg4[%mul3A_186, %dma_wait3A_357] : memref<204800x64xf32, #tpu.memory_space<hbm>> -> memref<128x64xf32, #tpu.memory_space<hbm>>
        %dma_wait3A_359 = arith.constant 0 : i32
        %dma_wait3A_360 = tpu.memref_slice %arg4[%mul3A_186, %dma_wait3A_359] : memref<204800x64xf32, #tpu.memory_space<hbm>> -> memref<128x64xf32, #tpu.memory_space<hbm>>
        tpu.wait_dma2 semaphore(%arg28 : memref<!tpu.dma_semaphore, #tpu.memory_space<semaphore_mem>>) src(%arg8 : memref<128x64xf32, #tpu.memory_space<vmem>>) dst(%dma_wait3A_360 : memref<128x64xf32, #tpu.memory_space<hbm>>)
        %add3A_361 = arith.constant 10 : i32
        %add3A_362 = arith.addi %add3A_183, %add3A_361 : i32
        %dma_start3A_363 = arith.constant 0 : i32
        %dma_start3A_364 = tpu.memref_slice %arg5[%add3A_362, %dma_start3A_363] : memref<50x128xi32, #tpu.memory_space<vmem>> -> memref<1x128xi32, #tpu.memory_space<vmem>>
        %dma_start3A_365 = tpu.memref_squeeze %dma_start3A_364 : memref<1x128xi32, #tpu.memory_space<vmem>> -> memref<128xi32, #tpu.memory_space<vmem>>
        %dma_start3A_366 = arith.constant 0 : i32
        %dma_start3A_367 = arith.constant 0 : i32
        %dma_start3A_368 = tpu.memref_slice %arg3[%dma_start3A_366, %dma_start3A_367] : memref<1000000x64xf32, #tpu.memory_space<hbm>> -> memref<1000000x64xf32, #tpu.memory_space<hbm>>
        tpu.enqueue_indirect_dma source(%dma_start3A_368 : memref<1000000x64xf32, #tpu.memory_space<hbm>>) target(%arg8 : memref<128x64xf32, #tpu.memory_space<vmem>>) offsets(%dma_start3A_365 : memref<128xi32, #tpu.memory_space<vmem>>) semaphore(%arg18 : memref<!tpu.dma_semaphore, #tpu.memory_space<semaphore_mem>>)
      } else {
      }
      %mul3A_202 = arith.constant 10 : i32
      %mul3A_203 = arith.muli %scan3A_137, %mul3A_202 : i32
      %add3A_204 = arith.constant 3 : i32
      %add3A_205 = arith.addi %mul3A_203, %add3A_204 : i32
      %add3A_206 = arith.addi %mul3A_2, %add3A_205 : i32
      %mul3A_207 = arith.constant 128 : i32
      %mul3A_208 = arith.muli %add3A_206, %mul3A_207 : i32
      %dma_wait3A_209 = arith.constant 0 : i32
      %dma_wait3A_210 = tpu.memref_slice %arg5[%add3A_205, %dma_wait3A_209] : memref<50x128xi32, #tpu.memory_space<vmem>> -> memref<1x128xi32, #tpu.memory_space<vmem>>
      %dma_wait3A_211 = tpu.memref_squeeze %dma_wait3A_210 : memref<1x128xi32, #tpu.memory_space<vmem>> -> memref<128xi32, #tpu.memory_space<vmem>>
      %dma_wait3A_212 = arith.constant 0 : i32
      %dma_wait3A_213 = arith.constant 0 : i32
      %dma_wait3A_214 = tpu.memref_slice %arg3[%dma_wait3A_212, %dma_wait3A_213] : memref<1000000x64xf32, #tpu.memory_space<hbm>> -> memref<1000000x64xf32, #tpu.memory_space<hbm>>
      tpu.wait_indirect_dma semaphore(%arg19 : memref<!tpu.dma_semaphore, #tpu.memory_space<semaphore_mem>>) src(%dma_wait3A_214 : memref<1000000x64xf32, #tpu.memory_space<hbm>>) dst(%arg9 : memref<128x64xf32, #tpu.memory_space<vmem>>)
      %dma_start3A_215 = arith.constant 0 : i32
      %dma_start3A_216 = tpu.memref_slice %arg4[%mul3A_208, %dma_start3A_215] : memref<204800x64xf32, #tpu.memory_space<hbm>> -> memref<128x64xf32, #tpu.memory_space<hbm>>
      %dma_start3A_217 = arith.constant 0 : i32
      %dma_start3A_218 = tpu.memref_slice %arg4[%mul3A_208, %dma_start3A_217] : memref<204800x64xf32, #tpu.memory_space<hbm>> -> memref<128x64xf32, #tpu.memory_space<hbm>>
      tpu.enqueue_dma source(%arg9 : memref<128x64xf32, #tpu.memory_space<vmem>>) target(%dma_start3A_218 : memref<128x64xf32, #tpu.memory_space<hbm>>) target_semaphore(%arg29 : memref<!tpu.dma_semaphore, #tpu.memory_space<semaphore_mem>>)
      %lt3A_219 = arith.constant 4 : i32
      %lt3A_220 = arith.cmpi slt, %scan3A_137, %lt3A_219 : i32
      %convert_element_type3A_221 = arith.extui %lt3A_220 : i1 to i32
      %cond3A_222 = arith.constant 0 : i32
      %cond3A_223 = arith.cmpi ne, %convert_element_type3A_221, %cond3A_222 : i32
      scf.if %cond3A_223 {
        %dma_wait3A_357 = arith.constant 0 : i32
        %dma_wait3A_358 = tpu.memref_slice %arg4[%mul3A_208, %dma_wait3A_357] : memref<204800x64xf32, #tpu.memory_space<hbm>> -> memref<128x64xf32, #tpu.memory_space<hbm>>
        %dma_wait3A_359 = arith.constant 0 : i32
        %dma_wait3A_360 = tpu.memref_slice %arg4[%mul3A_208, %dma_wait3A_359] : memref<204800x64xf32, #tpu.memory_space<hbm>> -> memref<128x64xf32, #tpu.memory_space<hbm>>
        tpu.wait_dma2 semaphore(%arg29 : memref<!tpu.dma_semaphore, #tpu.memory_space<semaphore_mem>>) src(%arg9 : memref<128x64xf32, #tpu.memory_space<vmem>>) dst(%dma_wait3A_360 : memref<128x64xf32, #tpu.memory_space<hbm>>)
        %add3A_361 = arith.constant 10 : i32
        %add3A_362 = arith.addi %add3A_205, %add3A_361 : i32
        %dma_start3A_363 = arith.constant 0 : i32
        %dma_start3A_364 = tpu.memref_slice %arg5[%add3A_362, %dma_start3A_363] : memref<50x128xi32, #tpu.memory_space<vmem>> -> memref<1x128xi32, #tpu.memory_space<vmem>>
        %dma_start3A_365 = tpu.memref_squeeze %dma_start3A_364 : memref<1x128xi32, #tpu.memory_space<vmem>> -> memref<128xi32, #tpu.memory_space<vmem>>
        %dma_start3A_366 = arith.constant 0 : i32
        %dma_start3A_367 = arith.constant 0 : i32
        %dma_start3A_368 = tpu.memref_slice %arg3[%dma_start3A_366, %dma_start3A_367] : memref<1000000x64xf32, #tpu.memory_space<hbm>> -> memref<1000000x64xf32, #tpu.memory_space<hbm>>
        tpu.enqueue_indirect_dma source(%dma_start3A_368 : memref<1000000x64xf32, #tpu.memory_space<hbm>>) target(%arg9 : memref<128x64xf32, #tpu.memory_space<vmem>>) offsets(%dma_start3A_365 : memref<128xi32, #tpu.memory_space<vmem>>) semaphore(%arg19 : memref<!tpu.dma_semaphore, #tpu.memory_space<semaphore_mem>>)
      } else {
      }
      %mul3A_224 = arith.constant 10 : i32
      %mul3A_225 = arith.muli %scan3A_137, %mul3A_224 : i32
      %add3A_226 = arith.constant 4 : i32
      %add3A_227 = arith.addi %mul3A_225, %add3A_226 : i32
      %add3A_228 = arith.addi %mul3A_2, %add3A_227 : i32
      %mul3A_229 = arith.constant 128 : i32
      %mul3A_230 = arith.muli %add3A_228, %mul3A_229 : i32
      %dma_wait3A_231 = arith.constant 0 : i32
      %dma_wait3A_232 = tpu.memref_slice %arg5[%add3A_227, %dma_wait3A_231] : memref<50x128xi32, #tpu.memory_space<vmem>> -> memref<1x128xi32, #tpu.memory_space<vmem>>
      %dma_wait3A_233 = tpu.memref_squeeze %dma_wait3A_232 : memref<1x128xi32, #tpu.memory_space<vmem>> -> memref<128xi32, #tpu.memory_space<vmem>>
      %dma_wait3A_234 = arith.constant 0 : i32
      %dma_wait3A_235 = arith.constant 0 : i32
      %dma_wait3A_236 = tpu.memref_slice %arg3[%dma_wait3A_234, %dma_wait3A_235] : memref<1000000x64xf32, #tpu.memory_space<hbm>> -> memref<1000000x64xf32, #tpu.memory_space<hbm>>
      tpu.wait_indirect_dma semaphore(%arg20 : memref<!tpu.dma_semaphore, #tpu.memory_space<semaphore_mem>>) src(%dma_wait3A_236 : memref<1000000x64xf32, #tpu.memory_space<hbm>>) dst(%arg10 : memref<128x64xf32, #tpu.memory_space<vmem>>)
      %dma_start3A_237 = arith.constant 0 : i32
      %dma_start3A_238 = tpu.memref_slice %arg4[%mul3A_230, %dma_start3A_237] : memref<204800x64xf32, #tpu.memory_space<hbm>> -> memref<128x64xf32, #tpu.memory_space<hbm>>
      %dma_start3A_239 = arith.constant 0 : i32
      %dma_start3A_240 = tpu.memref_slice %arg4[%mul3A_230, %dma_start3A_239] : memref<204800x64xf32, #tpu.memory_space<hbm>> -> memref<128x64xf32, #tpu.memory_space<hbm>>
      tpu.enqueue_dma source(%arg10 : memref<128x64xf32, #tpu.memory_space<vmem>>) target(%dma_start3A_240 : memref<128x64xf32, #tpu.memory_space<hbm>>) target_semaphore(%arg30 : memref<!tpu.dma_semaphore, #tpu.memory_space<semaphore_mem>>)
      %lt3A_241 = arith.constant 4 : i32
      %lt3A_242 = arith.cmpi slt, %scan3A_137, %lt3A_241 : i32
      %convert_element_type3A_243 = arith.extui %lt3A_242 : i1 to i32
      %cond3A_244 = arith.constant 0 : i32
      %cond3A_245 = arith.cmpi ne, %convert_element_type3A_243, %cond3A_244 : i32
      scf.if %cond3A_245 {
        %dma_wait3A_357 = arith.constant 0 : i32
        %dma_wait3A_358 = tpu.memref_slice %arg4[%mul3A_230, %dma_wait3A_357] : memref<204800x64xf32, #tpu.memory_space<hbm>> -> memref<128x64xf32, #tpu.memory_space<hbm>>
        %dma_wait3A_359 = arith.constant 0 : i32
        %dma_wait3A_360 = tpu.memref_slice %arg4[%mul3A_230, %dma_wait3A_359] : memref<204800x64xf32, #tpu.memory_space<hbm>> -> memref<128x64xf32, #tpu.memory_space<hbm>>
        tpu.wait_dma2 semaphore(%arg30 : memref<!tpu.dma_semaphore, #tpu.memory_space<semaphore_mem>>) src(%arg10 : memref<128x64xf32, #tpu.memory_space<vmem>>) dst(%dma_wait3A_360 : memref<128x64xf32, #tpu.memory_space<hbm>>)
        %add3A_361 = arith.constant 10 : i32
        %add3A_362 = arith.addi %add3A_227, %add3A_361 : i32
        %dma_start3A_363 = arith.constant 0 : i32
        %dma_start3A_364 = tpu.memref_slice %arg5[%add3A_362, %dma_start3A_363] : memref<50x128xi32, #tpu.memory_space<vmem>> -> memref<1x128xi32, #tpu.memory_space<vmem>>
        %dma_start3A_365 = tpu.memref_squeeze %dma_start3A_364 : memref<1x128xi32, #tpu.memory_space<vmem>> -> memref<128xi32, #tpu.memory_space<vmem>>
        %dma_start3A_366 = arith.constant 0 : i32
        %dma_start3A_367 = arith.constant 0 : i32
        %dma_start3A_368 = tpu.memref_slice %arg3[%dma_start3A_366, %dma_start3A_367] : memref<1000000x64xf32, #tpu.memory_space<hbm>> -> memref<1000000x64xf32, #tpu.memory_space<hbm>>
        tpu.enqueue_indirect_dma source(%dma_start3A_368 : memref<1000000x64xf32, #tpu.memory_space<hbm>>) target(%arg10 : memref<128x64xf32, #tpu.memory_space<vmem>>) offsets(%dma_start3A_365 : memref<128xi32, #tpu.memory_space<vmem>>) semaphore(%arg20 : memref<!tpu.dma_semaphore, #tpu.memory_space<semaphore_mem>>)
      } else {
      }
      %mul3A_246 = arith.constant 10 : i32
      %mul3A_247 = arith.muli %scan3A_137, %mul3A_246 : i32
      %add3A_248 = arith.constant 5 : i32
      %add3A_249 = arith.addi %mul3A_247, %add3A_248 : i32
      %add3A_250 = arith.addi %mul3A_2, %add3A_249 : i32
      %mul3A_251 = arith.constant 128 : i32
      %mul3A_252 = arith.muli %add3A_250, %mul3A_251 : i32
      %dma_wait3A_253 = arith.constant 0 : i32
      %dma_wait3A_254 = tpu.memref_slice %arg5[%add3A_249, %dma_wait3A_253] : memref<50x128xi32, #tpu.memory_space<vmem>> -> memref<1x128xi32, #tpu.memory_space<vmem>>
      %dma_wait3A_255 = tpu.memref_squeeze %dma_wait3A_254 : memref<1x128xi32, #tpu.memory_space<vmem>> -> memref<128xi32, #tpu.memory_space<vmem>>
      %dma_wait3A_256 = arith.constant 0 : i32
      %dma_wait3A_257 = arith.constant 0 : i32
      %dma_wait3A_258 = tpu.memref_slice %arg3[%dma_wait3A_256, %dma_wait3A_257] : memref<1000000x64xf32, #tpu.memory_space<hbm>> -> memref<1000000x64xf32, #tpu.memory_space<hbm>>
      tpu.wait_indirect_dma semaphore(%arg21 : memref<!tpu.dma_semaphore, #tpu.memory_space<semaphore_mem>>) src(%dma_wait3A_258 : memref<1000000x64xf32, #tpu.memory_space<hbm>>) dst(%arg11 : memref<128x64xf32, #tpu.memory_space<vmem>>)
      %dma_start3A_259 = arith.constant 0 : i32
      %dma_start3A_260 = tpu.memref_slice %arg4[%mul3A_252, %dma_start3A_259] : memref<204800x64xf32, #tpu.memory_space<hbm>> -> memref<128x64xf32, #tpu.memory_space<hbm>>
      %dma_start3A_261 = arith.constant 0 : i32
      %dma_start3A_262 = tpu.memref_slice %arg4[%mul3A_252, %dma_start3A_261] : memref<204800x64xf32, #tpu.memory_space<hbm>> -> memref<128x64xf32, #tpu.memory_space<hbm>>
      tpu.enqueue_dma source(%arg11 : memref<128x64xf32, #tpu.memory_space<vmem>>) target(%dma_start3A_262 : memref<128x64xf32, #tpu.memory_space<hbm>>) target_semaphore(%arg31 : memref<!tpu.dma_semaphore, #tpu.memory_space<semaphore_mem>>)
      %lt3A_263 = arith.constant 4 : i32
      %lt3A_264 = arith.cmpi slt, %scan3A_137, %lt3A_263 : i32
      %convert_element_type3A_265 = arith.extui %lt3A_264 : i1 to i32
      %cond3A_266 = arith.constant 0 : i32
      %cond3A_267 = arith.cmpi ne, %convert_element_type3A_265, %cond3A_266 : i32
      scf.if %cond3A_267 {
        %dma_wait3A_357 = arith.constant 0 : i32
        %dma_wait3A_358 = tpu.memref_slice %arg4[%mul3A_252, %dma_wait3A_357] : memref<204800x64xf32, #tpu.memory_space<hbm>> -> memref<128x64xf32, #tpu.memory_space<hbm>>
        %dma_wait3A_359 = arith.constant 0 : i32
        %dma_wait3A_360 = tpu.memref_slice %arg4[%mul3A_252, %dma_wait3A_359] : memref<204800x64xf32, #tpu.memory_space<hbm>> -> memref<128x64xf32, #tpu.memory_space<hbm>>
        tpu.wait_dma2 semaphore(%arg31 : memref<!tpu.dma_semaphore, #tpu.memory_space<semaphore_mem>>) src(%arg11 : memref<128x64xf32, #tpu.memory_space<vmem>>) dst(%dma_wait3A_360 : memref<128x64xf32, #tpu.memory_space<hbm>>)
        %add3A_361 = arith.constant 10 : i32
        %add3A_362 = arith.addi %add3A_249, %add3A_361 : i32
        %dma_start3A_363 = arith.constant 0 : i32
        %dma_start3A_364 = tpu.memref_slice %arg5[%add3A_362, %dma_start3A_363] : memref<50x128xi32, #tpu.memory_space<vmem>> -> memref<1x128xi32, #tpu.memory_space<vmem>>
        %dma_start3A_365 = tpu.memref_squeeze %dma_start3A_364 : memref<1x128xi32, #tpu.memory_space<vmem>> -> memref<128xi32, #tpu.memory_space<vmem>>
        %dma_start3A_366 = arith.constant 0 : i32
        %dma_start3A_367 = arith.constant 0 : i32
        %dma_start3A_368 = tpu.memref_slice %arg3[%dma_start3A_366, %dma_start3A_367] : memref<1000000x64xf32, #tpu.memory_space<hbm>> -> memref<1000000x64xf32, #tpu.memory_space<hbm>>
        tpu.enqueue_indirect_dma source(%dma_start3A_368 : memref<1000000x64xf32, #tpu.memory_space<hbm>>) target(%arg11 : memref<128x64xf32, #tpu.memory_space<vmem>>) offsets(%dma_start3A_365 : memref<128xi32, #tpu.memory_space<vmem>>) semaphore(%arg21 : memref<!tpu.dma_semaphore, #tpu.memory_space<semaphore_mem>>)
      } else {
      }
      %mul3A_268 = arith.constant 10 : i32
      %mul3A_269 = arith.muli %scan3A_137, %mul3A_268 : i32
      %add3A_270 = arith.constant 6 : i32
      %add3A_271 = arith.addi %mul3A_269, %add3A_270 : i32
      %add3A_272 = arith.addi %mul3A_2, %add3A_271 : i32
      %mul3A_273 = arith.constant 128 : i32
      %mul3A_274 = arith.muli %add3A_272, %mul3A_273 : i32
      %dma_wait3A_275 = arith.constant 0 : i32
      %dma_wait3A_276 = tpu.memref_slice %arg5[%add3A_271, %dma_wait3A_275] : memref<50x128xi32, #tpu.memory_space<vmem>> -> memref<1x128xi32, #tpu.memory_space<vmem>>
      %dma_wait3A_277 = tpu.memref_squeeze %dma_wait3A_276 : memref<1x128xi32, #tpu.memory_space<vmem>> -> memref<128xi32, #tpu.memory_space<vmem>>
      %dma_wait3A_278 = arith.constant 0 : i32
      %dma_wait3A_279 = arith.constant 0 : i32
      %dma_wait3A_280 = tpu.memref_slice %arg3[%dma_wait3A_278, %dma_wait3A_279] : memref<1000000x64xf32, #tpu.memory_space<hbm>> -> memref<1000000x64xf32, #tpu.memory_space<hbm>>
      tpu.wait_indirect_dma semaphore(%arg22 : memref<!tpu.dma_semaphore, #tpu.memory_space<semaphore_mem>>) src(%dma_wait3A_280 : memref<1000000x64xf32, #tpu.memory_space<hbm>>) dst(%arg12 : memref<128x64xf32, #tpu.memory_space<vmem>>)
      %dma_start3A_281 = arith.constant 0 : i32
      %dma_start3A_282 = tpu.memref_slice %arg4[%mul3A_274, %dma_start3A_281] : memref<204800x64xf32, #tpu.memory_space<hbm>> -> memref<128x64xf32, #tpu.memory_space<hbm>>
      %dma_start3A_283 = arith.constant 0 : i32
      %dma_start3A_284 = tpu.memref_slice %arg4[%mul3A_274, %dma_start3A_283] : memref<204800x64xf32, #tpu.memory_space<hbm>> -> memref<128x64xf32, #tpu.memory_space<hbm>>
      tpu.enqueue_dma source(%arg12 : memref<128x64xf32, #tpu.memory_space<vmem>>) target(%dma_start3A_284 : memref<128x64xf32, #tpu.memory_space<hbm>>) target_semaphore(%arg32 : memref<!tpu.dma_semaphore, #tpu.memory_space<semaphore_mem>>)
      %lt3A_285 = arith.constant 4 : i32
      %lt3A_286 = arith.cmpi slt, %scan3A_137, %lt3A_285 : i32
      %convert_element_type3A_287 = arith.extui %lt3A_286 : i1 to i32
      %cond3A_288 = arith.constant 0 : i32
      %cond3A_289 = arith.cmpi ne, %convert_element_type3A_287, %cond3A_288 : i32
      scf.if %cond3A_289 {
        %dma_wait3A_357 = arith.constant 0 : i32
        %dma_wait3A_358 = tpu.memref_slice %arg4[%mul3A_274, %dma_wait3A_357] : memref<204800x64xf32, #tpu.memory_space<hbm>> -> memref<128x64xf32, #tpu.memory_space<hbm>>
        %dma_wait3A_359 = arith.constant 0 : i32
        %dma_wait3A_360 = tpu.memref_slice %arg4[%mul3A_274, %dma_wait3A_359] : memref<204800x64xf32, #tpu.memory_space<hbm>> -> memref<128x64xf32, #tpu.memory_space<hbm>>
        tpu.wait_dma2 semaphore(%arg32 : memref<!tpu.dma_semaphore, #tpu.memory_space<semaphore_mem>>) src(%arg12 : memref<128x64xf32, #tpu.memory_space<vmem>>) dst(%dma_wait3A_360 : memref<128x64xf32, #tpu.memory_space<hbm>>)
        %add3A_361 = arith.constant 10 : i32
        %add3A_362 = arith.addi %add3A_271, %add3A_361 : i32
        %dma_start3A_363 = arith.constant 0 : i32
        %dma_start3A_364 = tpu.memref_slice %arg5[%add3A_362, %dma_start3A_363] : memref<50x128xi32, #tpu.memory_space<vmem>> -> memref<1x128xi32, #tpu.memory_space<vmem>>
        %dma_start3A_365 = tpu.memref_squeeze %dma_start3A_364 : memref<1x128xi32, #tpu.memory_space<vmem>> -> memref<128xi32, #tpu.memory_space<vmem>>
        %dma_start3A_366 = arith.constant 0 : i32
        %dma_start3A_367 = arith.constant 0 : i32
        %dma_start3A_368 = tpu.memref_slice %arg3[%dma_start3A_366, %dma_start3A_367] : memref<1000000x64xf32, #tpu.memory_space<hbm>> -> memref<1000000x64xf32, #tpu.memory_space<hbm>>
        tpu.enqueue_indirect_dma source(%dma_start3A_368 : memref<1000000x64xf32, #tpu.memory_space<hbm>>) target(%arg12 : memref<128x64xf32, #tpu.memory_space<vmem>>) offsets(%dma_start3A_365 : memref<128xi32, #tpu.memory_space<vmem>>) semaphore(%arg22 : memref<!tpu.dma_semaphore, #tpu.memory_space<semaphore_mem>>)
      } else {
      }
      %mul3A_290 = arith.constant 10 : i32
      %mul3A_291 = arith.muli %scan3A_137, %mul3A_290 : i32
      %add3A_292 = arith.constant 7 : i32
      %add3A_293 = arith.addi %mul3A_291, %add3A_292 : i32
      %add3A_294 = arith.addi %mul3A_2, %add3A_293 : i32
      %mul3A_295 = arith.constant 128 : i32
      %mul3A_296 = arith.muli %add3A_294, %mul3A_295 : i32
      %dma_wait3A_297 = arith.constant 0 : i32
      %dma_wait3A_298 = tpu.memref_slice %arg5[%add3A_293, %dma_wait3A_297] : memref<50x128xi32, #tpu.memory_space<vmem>> -> memref<1x128xi32, #tpu.memory_space<vmem>>
      %dma_wait3A_299 = tpu.memref_squeeze %dma_wait3A_298 : memref<1x128xi32, #tpu.memory_space<vmem>> -> memref<128xi32, #tpu.memory_space<vmem>>
      %dma_wait3A_300 = arith.constant 0 : i32
      %dma_wait3A_301 = arith.constant 0 : i32
      %dma_wait3A_302 = tpu.memref_slice %arg3[%dma_wait3A_300, %dma_wait3A_301] : memref<1000000x64xf32, #tpu.memory_space<hbm>> -> memref<1000000x64xf32, #tpu.memory_space<hbm>>
      tpu.wait_indirect_dma semaphore(%arg23 : memref<!tpu.dma_semaphore, #tpu.memory_space<semaphore_mem>>) src(%dma_wait3A_302 : memref<1000000x64xf32, #tpu.memory_space<hbm>>) dst(%arg13 : memref<128x64xf32, #tpu.memory_space<vmem>>)
      %dma_start3A_303 = arith.constant 0 : i32
      %dma_start3A_304 = tpu.memref_slice %arg4[%mul3A_296, %dma_start3A_303] : memref<204800x64xf32, #tpu.memory_space<hbm>> -> memref<128x64xf32, #tpu.memory_space<hbm>>
      %dma_start3A_305 = arith.constant 0 : i32
      %dma_start3A_306 = tpu.memref_slice %arg4[%mul3A_296, %dma_start3A_305] : memref<204800x64xf32, #tpu.memory_space<hbm>> -> memref<128x64xf32, #tpu.memory_space<hbm>>
      tpu.enqueue_dma source(%arg13 : memref<128x64xf32, #tpu.memory_space<vmem>>) target(%dma_start3A_306 : memref<128x64xf32, #tpu.memory_space<hbm>>) target_semaphore(%arg33 : memref<!tpu.dma_semaphore, #tpu.memory_space<semaphore_mem>>)
      %lt3A_307 = arith.constant 4 : i32
      %lt3A_308 = arith.cmpi slt, %scan3A_137, %lt3A_307 : i32
      %convert_element_type3A_309 = arith.extui %lt3A_308 : i1 to i32
      %cond3A_310 = arith.constant 0 : i32
      %cond3A_311 = arith.cmpi ne, %convert_element_type3A_309, %cond3A_310 : i32
      scf.if %cond3A_311 {
        %dma_wait3A_357 = arith.constant 0 : i32
        %dma_wait3A_358 = tpu.memref_slice %arg4[%mul3A_296, %dma_wait3A_357] : memref<204800x64xf32, #tpu.memory_space<hbm>> -> memref<128x64xf32, #tpu.memory_space<hbm>>
        %dma_wait3A_359 = arith.constant 0 : i32
        %dma_wait3A_360 = tpu.memref_slice %arg4[%mul3A_296, %dma_wait3A_359] : memref<204800x64xf32, #tpu.memory_space<hbm>> -> memref<128x64xf32, #tpu.memory_space<hbm>>
        tpu.wait_dma2 semaphore(%arg33 : memref<!tpu.dma_semaphore, #tpu.memory_space<semaphore_mem>>) src(%arg13 : memref<128x64xf32, #tpu.memory_space<vmem>>) dst(%dma_wait3A_360 : memref<128x64xf32, #tpu.memory_space<hbm>>)
        %add3A_361 = arith.constant 10 : i32
        %add3A_362 = arith.addi %add3A_293, %add3A_361 : i32
        %dma_start3A_363 = arith.constant 0 : i32
        %dma_start3A_364 = tpu.memref_slice %arg5[%add3A_362, %dma_start3A_363] : memref<50x128xi32, #tpu.memory_space<vmem>> -> memref<1x128xi32, #tpu.memory_space<vmem>>
        %dma_start3A_365 = tpu.memref_squeeze %dma_start3A_364 : memref<1x128xi32, #tpu.memory_space<vmem>> -> memref<128xi32, #tpu.memory_space<vmem>>
        %dma_start3A_366 = arith.constant 0 : i32
        %dma_start3A_367 = arith.constant 0 : i32
        %dma_start3A_368 = tpu.memref_slice %arg3[%dma_start3A_366, %dma_start3A_367] : memref<1000000x64xf32, #tpu.memory_space<hbm>> -> memref<1000000x64xf32, #tpu.memory_space<hbm>>
        tpu.enqueue_indirect_dma source(%dma_start3A_368 : memref<1000000x64xf32, #tpu.memory_space<hbm>>) target(%arg13 : memref<128x64xf32, #tpu.memory_space<vmem>>) offsets(%dma_start3A_365 : memref<128xi32, #tpu.memory_space<vmem>>) semaphore(%arg23 : memref<!tpu.dma_semaphore, #tpu.memory_space<semaphore_mem>>)
      } else {
      }
      %mul3A_312 = arith.constant 10 : i32
      %mul3A_313 = arith.muli %scan3A_137, %mul3A_312 : i32
      %add3A_314 = arith.constant 8 : i32
      %add3A_315 = arith.addi %mul3A_313, %add3A_314 : i32
      %add3A_316 = arith.addi %mul3A_2, %add3A_315 : i32
      %mul3A_317 = arith.constant 128 : i32
      %mul3A_318 = arith.muli %add3A_316, %mul3A_317 : i32
      %dma_wait3A_319 = arith.constant 0 : i32
      %dma_wait3A_320 = tpu.memref_slice %arg5[%add3A_315, %dma_wait3A_319] : memref<50x128xi32, #tpu.memory_space<vmem>> -> memref<1x128xi32, #tpu.memory_space<vmem>>
      %dma_wait3A_321 = tpu.memref_squeeze %dma_wait3A_320 : memref<1x128xi32, #tpu.memory_space<vmem>> -> memref<128xi32, #tpu.memory_space<vmem>>
      %dma_wait3A_322 = arith.constant 0 : i32
      %dma_wait3A_323 = arith.constant 0 : i32
      %dma_wait3A_324 = tpu.memref_slice %arg3[%dma_wait3A_322, %dma_wait3A_323] : memref<1000000x64xf32, #tpu.memory_space<hbm>> -> memref<1000000x64xf32, #tpu.memory_space<hbm>>
      tpu.wait_indirect_dma semaphore(%arg24 : memref<!tpu.dma_semaphore, #tpu.memory_space<semaphore_mem>>) src(%dma_wait3A_324 : memref<1000000x64xf32, #tpu.memory_space<hbm>>) dst(%arg14 : memref<128x64xf32, #tpu.memory_space<vmem>>)
      %dma_start3A_325 = arith.constant 0 : i32
      %dma_start3A_326 = tpu.memref_slice %arg4[%mul3A_318, %dma_start3A_325] : memref<204800x64xf32, #tpu.memory_space<hbm>> -> memref<128x64xf32, #tpu.memory_space<hbm>>
      %dma_start3A_327 = arith.constant 0 : i32
      %dma_start3A_328 = tpu.memref_slice %arg4[%mul3A_318, %dma_start3A_327] : memref<204800x64xf32, #tpu.memory_space<hbm>> -> memref<128x64xf32, #tpu.memory_space<hbm>>
      tpu.enqueue_dma source(%arg14 : memref<128x64xf32, #tpu.memory_space<vmem>>) target(%dma_start3A_328 : memref<128x64xf32, #tpu.memory_space<hbm>>) target_semaphore(%arg34 : memref<!tpu.dma_semaphore, #tpu.memory_space<semaphore_mem>>)
      %lt3A_329 = arith.constant 4 : i32
      %lt3A_330 = arith.cmpi slt, %scan3A_137, %lt3A_329 : i32
      %convert_element_type3A_331 = arith.extui %lt3A_330 : i1 to i32
      %cond3A_332 = arith.constant 0 : i32
      %cond3A_333 = arith.cmpi ne, %convert_element_type3A_331, %cond3A_332 : i32
      scf.if %cond3A_333 {
        %dma_wait3A_357 = arith.constant 0 : i32
        %dma_wait3A_358 = tpu.memref_slice %arg4[%mul3A_318, %dma_wait3A_357] : memref<204800x64xf32, #tpu.memory_space<hbm>> -> memref<128x64xf32, #tpu.memory_space<hbm>>
        %dma_wait3A_359 = arith.constant 0 : i32
        %dma_wait3A_360 = tpu.memref_slice %arg4[%mul3A_318, %dma_wait3A_359] : memref<204800x64xf32, #tpu.memory_space<hbm>> -> memref<128x64xf32, #tpu.memory_space<hbm>>
        tpu.wait_dma2 semaphore(%arg34 : memref<!tpu.dma_semaphore, #tpu.memory_space<semaphore_mem>>) src(%arg14 : memref<128x64xf32, #tpu.memory_space<vmem>>) dst(%dma_wait3A_360 : memref<128x64xf32, #tpu.memory_space<hbm>>)
        %add3A_361 = arith.constant 10 : i32
        %add3A_362 = arith.addi %add3A_315, %add3A_361 : i32
        %dma_start3A_363 = arith.constant 0 : i32
        %dma_start3A_364 = tpu.memref_slice %arg5[%add3A_362, %dma_start3A_363] : memref<50x128xi32, #tpu.memory_space<vmem>> -> memref<1x128xi32, #tpu.memory_space<vmem>>
        %dma_start3A_365 = tpu.memref_squeeze %dma_start3A_364 : memref<1x128xi32, #tpu.memory_space<vmem>> -> memref<128xi32, #tpu.memory_space<vmem>>
        %dma_start3A_366 = arith.constant 0 : i32
        %dma_start3A_367 = arith.constant 0 : i32
        %dma_start3A_368 = tpu.memref_slice %arg3[%dma_start3A_366, %dma_start3A_367] : memref<1000000x64xf32, #tpu.memory_space<hbm>> -> memref<1000000x64xf32, #tpu.memory_space<hbm>>
        tpu.enqueue_indirect_dma source(%dma_start3A_368 : memref<1000000x64xf32, #tpu.memory_space<hbm>>) target(%arg14 : memref<128x64xf32, #tpu.memory_space<vmem>>) offsets(%dma_start3A_365 : memref<128xi32, #tpu.memory_space<vmem>>) semaphore(%arg24 : memref<!tpu.dma_semaphore, #tpu.memory_space<semaphore_mem>>)
      } else {
      }
      %mul3A_334 = arith.constant 10 : i32
      %mul3A_335 = arith.muli %scan3A_137, %mul3A_334 : i32
      %add3A_336 = arith.constant 9 : i32
      %add3A_337 = arith.addi %mul3A_335, %add3A_336 : i32
      %add3A_338 = arith.addi %mul3A_2, %add3A_337 : i32
      %mul3A_339 = arith.constant 128 : i32
      %mul3A_340 = arith.muli %add3A_338, %mul3A_339 : i32
      %dma_wait3A_341 = arith.constant 0 : i32
      %dma_wait3A_342 = tpu.memref_slice %arg5[%add3A_337, %dma_wait3A_341] : memref<50x128xi32, #tpu.memory_space<vmem>> -> memref<1x128xi32, #tpu.memory_space<vmem>>
      %dma_wait3A_343 = tpu.memref_squeeze %dma_wait3A_342 : memref<1x128xi32, #tpu.memory_space<vmem>> -> memref<128xi32, #tpu.memory_space<vmem>>
      %dma_wait3A_344 = arith.constant 0 : i32
      %dma_wait3A_345 = arith.constant 0 : i32
      %dma_wait3A_346 = tpu.memref_slice %arg3[%dma_wait3A_344, %dma_wait3A_345] : memref<1000000x64xf32, #tpu.memory_space<hbm>> -> memref<1000000x64xf32, #tpu.memory_space<hbm>>
      tpu.wait_indirect_dma semaphore(%arg25 : memref<!tpu.dma_semaphore, #tpu.memory_space<semaphore_mem>>) src(%dma_wait3A_346 : memref<1000000x64xf32, #tpu.memory_space<hbm>>) dst(%arg15 : memref<128x64xf32, #tpu.memory_space<vmem>>)
      %dma_start3A_347 = arith.constant 0 : i32
      %dma_start3A_348 = tpu.memref_slice %arg4[%mul3A_340, %dma_start3A_347] : memref<204800x64xf32, #tpu.memory_space<hbm>> -> memref<128x64xf32, #tpu.memory_space<hbm>>
      %dma_start3A_349 = arith.constant 0 : i32
      %dma_start3A_350 = tpu.memref_slice %arg4[%mul3A_340, %dma_start3A_349] : memref<204800x64xf32, #tpu.memory_space<hbm>> -> memref<128x64xf32, #tpu.memory_space<hbm>>
      tpu.enqueue_dma source(%arg15 : memref<128x64xf32, #tpu.memory_space<vmem>>) target(%dma_start3A_350 : memref<128x64xf32, #tpu.memory_space<hbm>>) target_semaphore(%arg35 : memref<!tpu.dma_semaphore, #tpu.memory_space<semaphore_mem>>)
      %lt3A_351 = arith.constant 4 : i32
      %lt3A_352 = arith.cmpi slt, %scan3A_137, %lt3A_351 : i32
      %convert_element_type3A_353 = arith.extui %lt3A_352 : i1 to i32
      %cond3A_354 = arith.constant 0 : i32
      %cond3A_355 = arith.cmpi ne, %convert_element_type3A_353, %cond3A_354 : i32
      scf.if %cond3A_355 {
        %dma_wait3A_357 = arith.constant 0 : i32
        %dma_wait3A_358 = tpu.memref_slice %arg4[%mul3A_340, %dma_wait3A_357] : memref<204800x64xf32, #tpu.memory_space<hbm>> -> memref<128x64xf32, #tpu.memory_space<hbm>>
        %dma_wait3A_359 = arith.constant 0 : i32
        %dma_wait3A_360 = tpu.memref_slice %arg4[%mul3A_340, %dma_wait3A_359] : memref<204800x64xf32, #tpu.memory_space<hbm>> -> memref<128x64xf32, #tpu.memory_space<hbm>>
        tpu.wait_dma2 semaphore(%arg35 : memref<!tpu.dma_semaphore, #tpu.memory_space<semaphore_mem>>) src(%arg15 : memref<128x64xf32, #tpu.memory_space<vmem>>) dst(%dma_wait3A_360 : memref<128x64xf32, #tpu.memory_space<hbm>>)
        %add3A_361 = arith.constant 10 : i32
        %add3A_362 = arith.addi %add3A_337, %add3A_361 : i32
        %dma_start3A_363 = arith.constant 0 : i32
        %dma_start3A_364 = tpu.memref_slice %arg5[%add3A_362, %dma_start3A_363] : memref<50x128xi32, #tpu.memory_space<vmem>> -> memref<1x128xi32, #tpu.memory_space<vmem>>
        %dma_start3A_365 = tpu.memref_squeeze %dma_start3A_364 : memref<1x128xi32, #tpu.memory_space<vmem>> -> memref<128xi32, #tpu.memory_space<vmem>>
        %dma_start3A_366 = arith.constant 0 : i32
        %dma_start3A_367 = arith.constant 0 : i32
        %dma_start3A_368 = tpu.memref_slice %arg3[%dma_start3A_366, %dma_start3A_367] : memref<1000000x64xf32, #tpu.memory_space<hbm>> -> memref<1000000x64xf32, #tpu.memory_space<hbm>>
        tpu.enqueue_indirect_dma source(%dma_start3A_368 : memref<1000000x64xf32, #tpu.memory_space<hbm>>) target(%arg15 : memref<128x64xf32, #tpu.memory_space<vmem>>) offsets(%dma_start3A_365 : memref<128xi32, #tpu.memory_space<vmem>>) semaphore(%arg25 : memref<!tpu.dma_semaphore, #tpu.memory_space<semaphore_mem>>)
      } else {
      }
      %scan3A_356 = arith.constant 0 : i32
      scf.yield %scan3A_356 : i32
    }
    %scan3A_77 = arith.constant 5 : i32
    %mul3A_78 = arith.constant 128 : i32
    %mul3A_79 = arith.muli %mul3A_2, %mul3A_78 : i32
    %dma_wait3A = arith.constant 0 : i32
    %dma_wait3A_80 = tpu.memref_slice %arg4[%mul3A_79, %dma_wait3A] : memref<204800x64xf32, #tpu.memory_space<hbm>> -> memref<128x64xf32, #tpu.memory_space<hbm>>
    %dma_wait3A_81 = arith.constant 0 : i32
    %dma_wait3A_82 = tpu.memref_slice %arg4[%mul3A_79, %dma_wait3A_81] : memref<204800x64xf32, #tpu.memory_space<hbm>> -> memref<128x64xf32, #tpu.memory_space<hbm>>
    tpu.wait_dma2 semaphore(%arg26 : memref<!tpu.dma_semaphore, #tpu.memory_space<semaphore_mem>>) src(%arg6 : memref<128x64xf32, #tpu.memory_space<vmem>>) dst(%dma_wait3A_82 : memref<128x64xf32, #tpu.memory_space<hbm>>)
    %mul3A_83 = arith.constant 128 : i32
    %mul3A_84 = arith.muli %mul3A_2, %mul3A_83 : i32
    %dma_wait3A_85 = arith.constant 0 : i32
    %dma_wait3A_86 = tpu.memref_slice %arg4[%mul3A_84, %dma_wait3A_85] : memref<204800x64xf32, #tpu.memory_space<hbm>> -> memref<128x64xf32, #tpu.memory_space<hbm>>
    %dma_wait3A_87 = arith.constant 0 : i32
    %dma_wait3A_88 = tpu.memref_slice %arg4[%mul3A_84, %dma_wait3A_87] : memref<204800x64xf32, #tpu.memory_space<hbm>> -> memref<128x64xf32, #tpu.memory_space<hbm>>
    tpu.wait_dma2 semaphore(%arg27 : memref<!tpu.dma_semaphore, #tpu.memory_space<semaphore_mem>>) src(%arg7 : memref<128x64xf32, #tpu.memory_space<vmem>>) dst(%dma_wait3A_88 : memref<128x64xf32, #tpu.memory_space<hbm>>)
    %mul3A_89 = arith.constant 128 : i32
    %mul3A_90 = arith.muli %mul3A_2, %mul3A_89 : i32
    %dma_wait3A_91 = arith.constant 0 : i32
    %dma_wait3A_92 = tpu.memref_slice %arg4[%mul3A_90, %dma_wait3A_91] : memref<204800x64xf32, #tpu.memory_space<hbm>> -> memref<128x64xf32, #tpu.memory_space<hbm>>
    %dma_wait3A_93 = arith.constant 0 : i32
    %dma_wait3A_94 = tpu.memref_slice %arg4[%mul3A_90, %dma_wait3A_93] : memref<204800x64xf32, #tpu.memory_space<hbm>> -> memref<128x64xf32, #tpu.memory_space<hbm>>
    tpu.wait_dma2 semaphore(%arg28 : memref<!tpu.dma_semaphore, #tpu.memory_space<semaphore_mem>>) src(%arg8 : memref<128x64xf32, #tpu.memory_space<vmem>>) dst(%dma_wait3A_94 : memref<128x64xf32, #tpu.memory_space<hbm>>)
    %mul3A_95 = arith.constant 128 : i32
    %mul3A_96 = arith.muli %mul3A_2, %mul3A_95 : i32
    %dma_wait3A_97 = arith.constant 0 : i32
    %dma_wait3A_98 = tpu.memref_slice %arg4[%mul3A_96, %dma_wait3A_97] : memref<204800x64xf32, #tpu.memory_space<hbm>> -> memref<128x64xf32, #tpu.memory_space<hbm>>
    %dma_wait3A_99 = arith.constant 0 : i32
    %dma_wait3A_100 = tpu.memref_slice %arg4[%mul3A_96, %dma_wait3A_99] : memref<204800x64xf32, #tpu.memory_space<hbm>> -> memref<128x64xf32, #tpu.memory_space<hbm>>
    tpu.wait_dma2 semaphore(%arg29 : memref<!tpu.dma_semaphore, #tpu.memory_space<semaphore_mem>>) src(%arg9 : memref<128x64xf32, #tpu.memory_space<vmem>>) dst(%dma_wait3A_100 : memref<128x64xf32, #tpu.memory_space<hbm>>)
    %mul3A_101 = arith.constant 128 : i32
    %mul3A_102 = arith.muli %mul3A_2, %mul3A_101 : i32
    %dma_wait3A_103 = arith.constant 0 : i32
    %dma_wait3A_104 = tpu.memref_slice %arg4[%mul3A_102, %dma_wait3A_103] : memref<204800x64xf32, #tpu.memory_space<hbm>> -> memref<128x64xf32, #tpu.memory_space<hbm>>
    %dma_wait3A_105 = arith.constant 0 : i32
    %dma_wait3A_106 = tpu.memref_slice %arg4[%mul3A_102, %dma_wait3A_105] : memref<204800x64xf32, #tpu.memory_space<hbm>> -> memref<128x64xf32, #tpu.memory_space<hbm>>
    tpu.wait_dma2 semaphore(%arg30 : memref<!tpu.dma_semaphore, #tpu.memory_space<semaphore_mem>>) src(%arg10 : memref<128x64xf32, #tpu.memory_space<vmem>>) dst(%dma_wait3A_106 : memref<128x64xf32, #tpu.memory_space<hbm>>)
    %mul3A_107 = arith.constant 128 : i32
    %mul3A_108 = arith.muli %mul3A_2, %mul3A_107 : i32
    %dma_wait3A_109 = arith.constant 0 : i32
    %dma_wait3A_110 = tpu.memref_slice %arg4[%mul3A_108, %dma_wait3A_109] : memref<204800x64xf32, #tpu.memory_space<hbm>> -> memref<128x64xf32, #tpu.memory_space<hbm>>
    %dma_wait3A_111 = arith.constant 0 : i32
    %dma_wait3A_112 = tpu.memref_slice %arg4[%mul3A_108, %dma_wait3A_111] : memref<204800x64xf32, #tpu.memory_space<hbm>> -> memref<128x64xf32, #tpu.memory_space<hbm>>
    tpu.wait_dma2 semaphore(%arg31 : memref<!tpu.dma_semaphore, #tpu.memory_space<semaphore_mem>>) src(%arg11 : memref<128x64xf32, #tpu.memory_space<vmem>>) dst(%dma_wait3A_112 : memref<128x64xf32, #tpu.memory_space<hbm>>)
    %mul3A_113 = arith.constant 128 : i32
    %mul3A_114 = arith.muli %mul3A_2, %mul3A_113 : i32
    %dma_wait3A_115 = arith.constant 0 : i32
    %dma_wait3A_116 = tpu.memref_slice %arg4[%mul3A_114, %dma_wait3A_115] : memref<204800x64xf32, #tpu.memory_space<hbm>> -> memref<128x64xf32, #tpu.memory_space<hbm>>
    %dma_wait3A_117 = arith.constant 0 : i32
    %dma_wait3A_118 = tpu.memref_slice %arg4[%mul3A_114, %dma_wait3A_117] : memref<204800x64xf32, #tpu.memory_space<hbm>> -> memref<128x64xf32, #tpu.memory_space<hbm>>
    tpu.wait_dma2 semaphore(%arg32 : memref<!tpu.dma_semaphore, #tpu.memory_space<semaphore_mem>>) src(%arg12 : memref<128x64xf32, #tpu.memory_space<vmem>>) dst(%dma_wait3A_118 : memref<128x64xf32, #tpu.memory_space<hbm>>)
    %mul3A_119 = arith.constant 128 : i32
    %mul3A_120 = arith.muli %mul3A_2, %mul3A_119 : i32
    %dma_wait3A_121 = arith.constant 0 : i32
    %dma_wait3A_122 = tpu.memref_slice %arg4[%mul3A_120, %dma_wait3A_121] : memref<204800x64xf32, #tpu.memory_space<hbm>> -> memref<128x64xf32, #tpu.memory_space<hbm>>
    %dma_wait3A_123 = arith.constant 0 : i32
    %dma_wait3A_124 = tpu.memref_slice %arg4[%mul3A_120, %dma_wait3A_123] : memref<204800x64xf32, #tpu.memory_space<hbm>> -> memref<128x64xf32, #tpu.memory_space<hbm>>
    tpu.wait_dma2 semaphore(%arg33 : memref<!tpu.dma_semaphore, #tpu.memory_space<semaphore_mem>>) src(%arg13 : memref<128x64xf32, #tpu.memory_space<vmem>>) dst(%dma_wait3A_124 : memref<128x64xf32, #tpu.memory_space<hbm>>)
    %mul3A_125 = arith.constant 128 : i32
    %mul3A_126 = arith.muli %mul3A_2, %mul3A_125 : i32
    %dma_wait3A_127 = arith.constant 0 : i32
    %dma_wait3A_128 = tpu.memref_slice %arg4[%mul3A_126, %dma_wait3A_127] : memref<204800x64xf32, #tpu.memory_space<hbm>> -> memref<128x64xf32, #tpu.memory_space<hbm>>
    %dma_wait3A_129 = arith.constant 0 : i32
    %dma_wait3A_130 = tpu.memref_slice %arg4[%mul3A_126, %dma_wait3A_129] : memref<204800x64xf32, #tpu.memory_space<hbm>> -> memref<128x64xf32, #tpu.memory_space<hbm>>
    tpu.wait_dma2 semaphore(%arg34 : memref<!tpu.dma_semaphore, #tpu.memory_space<semaphore_mem>>) src(%arg14 : memref<128x64xf32, #tpu.memory_space<vmem>>) dst(%dma_wait3A_130 : memref<128x64xf32, #tpu.memory_space<hbm>>)
    %mul3A_131 = arith.constant 128 : i32
    %mul3A_132 = arith.muli %mul3A_2, %mul3A_131 : i32
    %dma_wait3A_133 = arith.constant 0 : i32
    %dma_wait3A_134 = tpu.memref_slice %arg4[%mul3A_132, %dma_wait3A_133] : memref<204800x64xf32, #tpu.memory_space<hbm>> -> memref<128x64xf32, #tpu.memory_space<hbm>>
    %dma_wait3A_135 = arith.constant 0 : i32
    %dma_wait3A_136 = tpu.memref_slice %arg4[%mul3A_132, %dma_wait3A_135] : memref<204800x64xf32, #tpu.memory_space<hbm>> -> memref<128x64xf32, #tpu.memory_space<hbm>>
    tpu.wait_dma2 semaphore(%arg35 : memref<!tpu.dma_semaphore, #tpu.memory_space<semaphore_mem>>) src(%arg15 : memref<128x64xf32, #tpu.memory_space<vmem>>) dst(%dma_wait3A_136 : memref<128x64xf32, #tpu.memory_space<hbm>>)
    return
  }
}

</mosaic_0001>

<sc_bundles>
// kernel: kernel.3.cloned.1.call-start
scs
__scs_entry_jumppad:
0x0: {  	(pc) =	sbr.rel $0x88, $3  }
0x1: {  	(tag) =	ssettag $0x0;
	lr =	simm.s32 $0x1  }
0x2: {  	[smem:$0x3F9F] =	sst lr;
	_ =	strace $0xD0000000  }
0x3: {  	_ = 	snop  }
0x4: {  	_ = 	snop  }
0x5: {  	_ = 	snop  }
0x6: {  	_ = 	snop  }
0x7: {  	_ = 	snop  }
__scs_overlays_trampoline_lowered:
0x8: {  	[smem:$0x3FAE] =	sst s0  }
0x9: {  	[smem:$0x3FAF] =	sst s1  }
0xa: {  	[smem:$0x3FB0] =	sst s2  }
0xb: {  	[smem:$0x3FB1] =	sst s3  }
0xc: {  	[smem:$0x3FB2] =	sst s4  }
0xd: {  	[smem:$0x3FB3] =	sst s5  }
0xe: {  	[smem:$0x3FB4] =	sst s6  }
0xf: {  	[smem:$0x3FB5] =	sst s7  }
0x10: {  	[smem:$0x3FB6] =	sst s8  }
0x11: {  	[smem:$0x3FB7] =	sst s9;
	s0 =	simm.s32 @!p0 $0x0  }
0x12: {  	s1 =	sld [smem:$0x3F9D];
	s0 =	simm.s32 @p0 $0x1  }
0x13: {  	[smem:$0x3FB8] =	sst s0;
	s0 =	simm.s32 @!p1 $0x0  }
0x14: {  	s2 =	sld [smem:$0x3F9C];
	s0 =	simm.s32 @p1 $0x1  }
0x15: {  	[smem:$0x3FB9] =	sst s0;
	s0 =	simm.s32 @!p2 $0x0  }
0x16: {  	s3 =	sld [smem:$0x3FDB];
	s0 =	simm.s32 @p2 $0x1  }
0x17: {  	s4 =	simm.s32 $0x1BF5;
	[smem:$0x3FBB] =	sst s0  }
0x18: {  	s0 =	sld [smem:$0x3F9E];
	_ =	swait.ge [sflag:s4], $0x0  }
0x19: {  	s7 =	sld [smem:$0x3F9F]  }
0x1a: {  	s8 =	sadd.s32 $0xFFFFE003, lr  }
0x1b: {  	s9 =	sadd.s32 $0xFFFFFEF7, lr;
	s5 =	simm.s32 $0xFFFFFFFF;
	p2 =	slt.u32 s8, $0xFFFFF086  }
0x1c: {  	p1 =	slt.u32 s9, $0xF7A;
	s5 =	simm.s32 @!p2 $0x0  }
0x1d: {  	s5 =	simm.s32 @p1 $0x1;
	p0 =	seq.s32 s7, s2  }
0x1e: {  	s7 =	smul.u32 @!p0 $0xF7A, s2;
	p2 =	seq.s32 @!p0 s5, $0x0  }
0x1f: {  	s9 =	smul.u32 $0xF7A, s1;
	s8 =	simm.s32 @!p0 $0x1BF5;
	p2 =	por !p2, p0  }
0x20: {  	[sflag:s8] =	ssyncset.s32 @!p0 $0xFFFFF086;
	s6 =	sadd.s32 @!p0 s3, s7;
	s7 =	simm.s32 @!p0 $0x108  }
0x21: {  	s3 =	sadd.s32 s3, s9;
	s6 =	sadd.s32 @!p0 $0x88, s6;
	s7 =	simm.s32 @p2 $0x1082  }
0x22: {  	[simem:s7], [sflag:s8] =	dma.local @!p0 [hbm:s6], $0xF7A  }
0x23: {  	s9 =	sor.u32 $0xD0000000, s2;
	s6 =	simm.s32 $0x108;
	_ =	swait.ge @!p0 [sflag:s8], $0x0  }
0x24: {  	s3 =	sadd.s32 $0x88, s3;
	s6 =	simm.s32 @!p1 $0x1082;
	[sflag:s4] =	ssyncset.s32 $0xFFFFF086  }
0x25: {  	[simem:s6], [sflag:s4] =	dma.local [hbm:s3], $0xF7A  }
0x26: {  	[smem:$0x3F9F] =	sst s1;
	(tag) =	ssettag s2;
	_ =	strace s9  }
0x27: {  	s1 =	sld [smem:$0x3FAF]  }
0x28: {  	s2 =	sld [smem:$0x3FB0]  }
0x29: {  	s4 =	sld [smem:$0x3FB2]  }
0x2a: {  	p0 =	seq.s32 s5, $0x0;
	s5 =	sld [smem:$0x3FB3]  }
0x2b: {  	s6 =	sld [smem:$0x3FB4]  }
0x2c: {  	s7 =	sld [smem:$0x3FB5]  }
0x2d: {  	s3 =	simm.s32 $0x108;
	s8 =	sld [smem:$0x3FB6]  }
0x2e: {  	s3 =	simm.s32 @!p0 $0x1082;
	s9 =	sld [smem:$0x3FB7]  }
0x2f: {  	lr =	sadd.s32 s0, s3;
	s0 =	sld [smem:$0x3FAE]  }
0x30: {  	s3 =	sld [smem:$0x3FB1]  }
0x31: {  	[smem:$0x3FBA] =	sst s10  }
0x32: {  	s10 =	sld [smem:$0x3FB8];
	_ =	sdelay $0x3  }
0x33: {  	p0 =	seq.s32 s10, $0x1;
	s10 =	sld [smem:$0x3FBA];
	_ =	sdelay $0x3  }
0x34: {  	[smem:$0x3FBA] =	sst s10  }
0x35: {  	s10 =	sld [smem:$0x3FB9];
	_ =	sdelay $0x3  }
0x36: {  	p1 =	seq.s32 s10, $0x1;
	s10 =	sld [smem:$0x3FBA];
	_ =	sdelay $0x3  }
0x37: {  	[smem:$0x3FBA] =	sst s10  }
0x38: {  	s10 =	sld [smem:$0x3FBB]  }
0x39: {  	_ = 	snop;
	(pc) =	sbr.ind lr, $3  }
0x3a: {  	_ = 	snop  }
0x3b: {  	_ = 	snop  }
0x3c: {  	p2 =	seq.s32 s10, $0x1;
	s10 =	sld [smem:$0x3FBA]  }
0x3d: {  	_ =	shalt  }
0x3e: {  	_ =	shalt  }
0x3f: {  	_ =	shalt  }
0x40: {  	_ =	shalt  }
0x41: {  	_ =	shalt  }
0x42: {  	_ =	shalt  }
0x43: {  	_ =	shalt  }
0x44: {  	_ =	shalt  }
0x45: {  	_ =	shalt  }
0x46: {  	_ =	shalt  }
0x47: {  	_ =	shalt  }
0x48: {  	_ =	shalt  }
0x49: {  	_ =	shalt  }
0x4a: {  	_ =	shalt  }
0x4b: {  	_ =	shalt  }
0x4c: {  	_ =	shalt  }
0x4d: {  	_ =	shalt  }
0x4e: {  	_ =	shalt  }
0x4f: {  	_ =	shalt  }
0x50: {  	_ =	shalt  }
0x51: {  	_ =	shalt  }
0x52: {  	_ =	shalt  }
0x53: {  	_ =	shalt  }
0x54: {  	_ =	shalt  }
0x55: {  	_ =	shalt  }
0x56: {  	_ =	shalt  }
0x57: {  	_ =	shalt  }
0x58: {  	_ =	shalt  }
0x59: {  	_ =	shalt  }
0x5a: {  	_ =	shalt  }
0x5b: {  	_ =	shalt  }
0x5c: {  	_ =	shalt  }
0x5d: {  	_ =	shalt  }
0x5e: {  	_ =	shalt  }
0x5f: {  	_ =	shalt  }
0x60: {  	_ =	shalt  }
0x61: {  	_ =	shalt  }
0x62: {  	_ =	shalt  }
0x63: {  	_ =	shalt  }
0x64: {  	_ =	shalt  }
0x65: {  	_ =	shalt  }
0x66: {  	_ =	shalt  }
0x67: {  	_ =	shalt  }
0x68: {  	_ =	shalt  }
0x69: {  	_ =	shalt  }
0x6a: {  	_ =	shalt  }
0x6b: {  	_ =	shalt  }
0x6c: {  	_ =	shalt  }
0x6d: {  	_ =	shalt  }
0x6e: {  	_ =	shalt  }
0x6f: {  	_ =	shalt  }
0x70: {  	_ =	shalt  }
0x71: {  	_ =	shalt  }
0x72: {  	_ =	shalt  }
0x73: {  	_ =	shalt  }
0x74: {  	_ =	shalt  }
0x75: {  	_ =	shalt  }
0x76: {  	_ =	shalt  }
0x77: {  	_ =	shalt  }
0x78: {  	_ =	shalt  }
0x79: {  	_ =	shalt  }
0x7a: {  	_ =	shalt  }
0x7b: {  	_ =	shalt  }
0x7c: {  	_ =	shalt  }
0x7d: {  	_ =	shalt  }
0x7e: {  	_ =	shalt  }
0x7f: {  	_ =	shalt  }
0x80: {  	_ =	shalt  }
0x81: {  	_ =	shalt  }
0x82: {  	_ =	shalt  }
0x83: {  	_ =	shalt  }
0x84: {  	_ =	shalt  }
0x85: {  	_ =	shalt  }
0x86: {  	_ =	shalt  }
0x87: {  	_ =	shalt  }
.Lfunc_end0:
.L_simem_size_0:
called_computation.1_lowered:
.L_overlay_start_0:
0x88: {  	s2 =	sld [smem:$0x3FD9]  }
0x89: {  	s3 =	sld [smem:$0x3FFE];
	_ =	sdelay $0x1  }
0x8a: {  	s1 =	srdreg.scid  }
0x8b: {  	s0 =	sand.u32 $0x1, s1  }
0x8c: {  	s17 =	sshll.u32 s0, $0xA;
	s2 =	sadd.s32 s3, s2  }
0x8d: {  	s2 =	sadd.s32 s2, s17  }
0x8e: {  	[smem:$0x3FC6] =	sst s2  }
0x8f: {  	_ = 	snop  }
0x90: {  	s2 =	sld [smem:$0x3FD0];
	(tm) =	ssettm $0x1  }
0x91: {  	s18 =	sld [smem:$0x3FFB];
	_ =	sdelay $0x3  }
0x92: {  	_ =	strace s18  }
0x93: {  	s3 =	sld [smem:$0x3FFC];
	_ =	sdelay $0x3  }
0x94: {  	_ =	strace s3  }
0x95: {  	s3 =	sld [smem:$0x3FFD];
	_ =	sdelay $0x3  }
0x96: {  	_ =	strace s3  }
0x97: {  	_ =	strace $0x8FFFFFFF  }
0x98: {  	s19 =	sld [smem:$0x3FDB];
	_ =	sdelay $0x1  }
0x99: {  	s4 =	simm.s32 $_scs_section_size  }
0x9a: {  	s5 =	simm.s32 $_size__tile_overlayer_lowered;
	s6 =	simm.s32 $_tile_overlayer_lowered  }
0x9b: {  	s22 =	simm.s32 $0x1BFF;
	s21 =	sshll.u32 s6, $0x1;
	s3 =	sadd.s32 s4, s19  }
0x9c: {  	s7 =	simm.s32 $0x0;
	s20 =	sshll.u32 s5, $0x1;
	s5 =	sadd.s32 s21, s3  }
0x9d: {  	[timem:s7], [sflag:s22] =	dma.local [hbm:s5], s20  }
0x9e: {  	_ =	swait.ge [sflag:s22], s20  }
0x9f: {  	s4 =	ssub.s32 $0x0, s20;
	[sflag:s22] =	ssyncset.done $0x0  }
0xa0: {  	[sflag:s22] =	ssyncadd.s32 s4;
	_ =	sdelay $0x1  }
0xa1: {  	s23 =	simm.s32 $0x1B8B  }
0xa2: {  	_ =	swait.ge [sflag:s23], $0x1  }
0xa3: {  	[sflag:s23] =	ssyncset.done $0x0  }
0xa4: {  	s25 =	simm.s32 $0x1B8E;
	s24 =	sld [smem:$0x3FFE];
	[sflag:s23] =	ssyncadd.s32 $0xFFFFFFFF  }
0xa5: {  	s26 =	simm.s32 $execute0_lowered;
	[smem:$0x3FD2] =	sst s25  }
0xa6: {  	s5 =	sshll.u32 s26, $0x1;
	_ =	strace $0x80000046;
	[dreg:$0x1] =	wrdreg $0xFFFFFFFF  }
0xa7: {  	s28 =	simm.s32 $_size_execute0_lowered;
	s3 =	sadd.s32 s3, s5;
	[dreg:$0x0] =	wrdreg $0x0  }
0xa8: {  	s5 =	sshll.u32 s28, $0x1;
	[dreg:$0x2] =	wrdreg s3  }
0xa9: {  	[dreg:$0x3] =	wrdreg s5  }
0xaa: {  	[dreg:$0x4] =	wrdreg $0xC0  }
0xab: {  	_ =	task [dreg:s7], $0x5FFFF  }
0xac: {  	[dreg:$0x1] =	wrdreg $0xFFFFFFFF  }
0xad: {  	[dreg:$0x0] =	wrdreg $0x60  }
0xae: {  	[dreg:$0x2] =	wrdreg s24  }
0xaf: {  	[dreg:$0x3] =	wrdreg s2  }
0xb0: {  	[dreg:$0x4] =	wrdreg $0x9  }
0xb1: {  	_ =	task.clear_ibuf [dreg:s7], $0x5FFFF;
	_ =	strace $0x90000046  }
0xb2: {  	s29 =	simm.s32 $0x9;
	_ =	strace $0x80000048  }
0xb3: {  	_ =	swait.ge [sflag:s29], $0x1  }
0xb4: {  	[sflag:s29] =	ssyncadd.s32 $0xFFFFFFFF  }
0xb5: {  	_ =	strace $0x90000048  }
0xb6: {  	_ =	sfence  }
0xb7: {  	s30 =	sld [smem:$0x0];
	_ =	sdelay $0x2  }
0xb8: {  	s31 =	sshll.u32 s1, $0xD;
	s1 =	sshrl.u32 s1, $0x2  }
0xb9: {  	s3 =	sand.u32 $0x4000, s31;
	s1 =	sadd.s32 s1, s30  }
0xba: {  	s0 =	sor.u32 s3, s0;
	s1 =	sshll.u32 s1, $0x11  }
0xbb: {  	s0 =	sor.u32 s1, s0  }
0xbc: {  	s0 =	sadd.s32 $0x8F2B, s0  }
0xbd: {  	[sflag:s0] =	ssyncadd.remote.s32 $0x1  }
0xbe: {  	_ =	sfence.sel $0xFFFF  }
0xbf: {  	[dreg:$0x0] =	wrdreg $0xFFFFFFFF;
	(pc) =	sbr.abs _section_cstart, $3  }
0xc0: {  	[dreg:$0x1] =	wrdreg $0xFFFFFFFF  }
0xc1: {  	_ =	task.clear_ibuf [dreg:s7], $0x2FFFF;
	_ =	strace $0x9FFFFFFF  }
0xc2: {  	(tm) =	ssettm $0x7FFFFFFF  }
0xc3: {  	_ =	shalt  }
tec
execute0_lowered:
.L_overlay_start_1:
0x0: {  	(tag) =	ssettag $0x1  }
0x1: {  	s0 =	srdreg.scid;
	s11 =	stileid.u32  }
0x2: {  	s2 =	rddreg [dreg:$0x0];
	s3 =	simm.s32 $0x0;
	s18 =	simm.s32 $0x80  }
0x3: {  	s25 =	simm.s32 $0x13900;
	s28 =	simm.s32 $0x1;
	s30 =	simm.s32 $0x2  }
0x4: {  	s23 =	simm.s32 $0x5;
	s17 =	simm.s32 $0x8;
	s19 =	simm.s32 $0x9  }
0x5: {  	s20 =	simm.s32 $0xA;
	s22 =	simm.s32 $0x14;
	s5 =	smul.u32 $0x64, s11  }
0x6: {  	s0 =	sand.u32 $0x1, s0;
	s1 =	sshll.u32 s11, $0x1;
	s31 =	smul.u32 $0x19000, s11  }
0x7: {  	[smem:$0x7FF] =	sst s3;
	s4 =	sadd.s32 $0xF42E00, s2;
	s6 =	smul.u32 $0x32, s0  }
0x8: {  	s1 =	sor.u32 s0, s1;
	s7 =	ssub.s32 $0x2, s0;
	s0 =	smul.u32 $0xC800, s0  }
0x9: {  	s21 =	simm.s32 $0x0;
	_ =	strace $0x80000047;
	s1 =	smul.u32 $0x320, s1  }
0xa: {  	s26 =	sshrl.u32 s7, $0x1;
	s5 =	sadd.s32 s6, s5;
	s16 =	sadd.s32 s0, s31  }
0xb: {  	s6 =	simm.s32 $0x7;
	s1 =	sadd.s32 s1, s2;
	s2 =	ssub.s32 s7, s26  }
0xc: {  	s29 =	sshll.u32 s5, $0xA;
	s5 =	simm.s32 $0x6;
	s1 =	sadd.s32 $0xA00, s1  }
.Ltmp0:
0xd: {  	s2 =	smax.u32 s2, $0x1;
	s7 =	sadd.s32 $0x2400, s29;
	(pc) =	sbr.rel .LBB2_1-.Ltmp0, $4  }
0xe: {  	s8 =	sadd.s32 $0x2000, s29;
	s9 =	sadd.s32 $0x1C00, s29;
	s10 =	sadd.s32 $0x1800, s29  }
0xf: {  	s11 =	sadd.s32 $0x1400, s29;
	s12 =	sadd.s32 $0x1000, s29;
	s13 =	sadd.s32 $0xC00, s29  }
0x10: {  	s14 =	sadd.s32 $0x800, s29;
	s15 =	sor.u32 $0x400, s29;
	[dreg:$0x3] =	wrdreg s1  }
0x11: {  	[dreg:$0x4] =	wrdreg s2;
	s1 =	simm.s32 $0x3;
	s2 =	simm.s32 $0x4  }
.LBB2_4:
0x12: {  	s0 =	simm.s32 $0xB  }
0x13: {  	_ =	swait.ge [sflag:s0], $0x2000  }
0x14: {  	[sflag:s0] =	ssyncset.done $0x0  }
0x15: {  	s24 =	simm.s32 $0xC;
	[sflag:s0] =	ssyncadd.s32 $0xFFFFE000  }
0x16: {  	_ =	swait.ge [sflag:s24], $0x2000  }
0x17: {  	[sflag:s24] =	ssyncset.done $0x0  }
0x18: {  	s26 =	simm.s32 $0xD;
	[sflag:s24] =	ssyncadd.s32 $0xFFFFE000  }
0x19: {  	_ =	swait.ge [sflag:s26], $0x2000  }
0x1a: {  	[sflag:s26] =	ssyncset.done $0x0  }
0x1b: {  	s29 =	simm.s32 $0xE;
	[sflag:s26] =	ssyncadd.s32 $0xFFFFE000  }
0x1c: {  	_ =	swait.ge [sflag:s29], $0x2000  }
0x1d: {  	[sflag:s29] =	ssyncset.done $0x0  }
0x1e: {  	s31 =	simm.s32 $0xF;
	[sflag:s29] =	ssyncadd.s32 $0xFFFFE000  }
0x1f: {  	_ =	swait.ge [sflag:s31], $0x2000  }
0x20: {  	[sflag:s31] =	ssyncset.done $0x0  }
0x21: {  	s21 =	simm.s32 $0x10;
	[sflag:s31] =	ssyncadd.s32 $0xFFFFE000  }
0x22: {  	_ =	swait.ge [sflag:s21], $0x2000  }
0x23: {  	[sflag:s21] =	ssyncset.done $0x0  }
0x24: {  	s24 =	simm.s32 $0x11;
	[sflag:s21] =	ssyncadd.s32 $0xFFFFE000  }
0x25: {  	_ =	swait.ge [sflag:s24], $0x2000  }
0x26: {  	[sflag:s24] =	ssyncset.done $0x0  }
0x27: {  	s26 =	simm.s32 $0x12;
	[sflag:s24] =	ssyncadd.s32 $0xFFFFE000  }
0x28: {  	_ =	swait.ge [sflag:s26], $0x2000  }
0x29: {  	[sflag:s26] =	ssyncset.done $0x0  }
0x2a: {  	s29 =	simm.s32 $0x13;
	[sflag:s26] =	ssyncadd.s32 $0xFFFFE000  }
0x2b: {  	_ =	swait.ge [sflag:s29], $0x2000  }
0x2c: {  	[sflag:s29] =	ssyncset.done $0x0  }
0x2d: {  	[sflag:s29] =	ssyncadd.s32 $0xFFFFE000  }
0x2e: {  	_ =	swait.ge [sflag:s22], $0x2000  }
0x2f: {  	s21 =	rddreg [dreg:$0x5]  }
0x30: {  	s31 =	rddreg [dreg:$0x4];
	s21 =	sadd.s32 $0x1, s21  }
0x31: {  	p0 =	sne.s32 s21, s31  }
.Ltmp1:
0x32: {  	_ = 	snop;
	(pc) =	sbr.rel @!p0 .LBB2_5-.Ltmp1, $3  }
0x33: {  	_ =	sdelay $0x1  }
0x34: {  	[sflag:s22] =	ssyncset.done $0x0  }
0x35: {  	[sflag:s22] =	ssyncadd.s32 $0xFFFFE000  }
.LBB2_1:
0x36: {  	[dreg:$0x5] =	wrdreg s21  }
0x37: {  	s0 =	rddreg [dreg:$0x3];
	s21 =	simm.s32 $0x15  }
0x38: {  	[tilespmem:s3], [sflag:$0x15] =	stream.linear.gather [hbm4b:s0+s3], $0x1900, $0x38;
	[tilespmem:$0x15900] =	vst v63  }
0x39: {  	_ =	swait.ge [sflag:s21], $0x1900  }
0x3a: {  	[sflag:s21] =	ssyncset.done $0x0  }
0x3b: {  	s24 =	simm.s32 $0x1900;
	[sflag:s21] =	ssyncadd.s32 $0xFFFFE700  }
0x3c: {  	[tilespmem:s24], [sflag:$0x1] =	stream.indirect.gather [hbm4b:s4+s18], $0x40, s3, s18, $0xb8;
	[tilespmem:$0x15900] =	vst v63  }
0x3d: {  	s26 =	simm.s32 $0x3900  }
0x3e: {  	[tilespmem:s26], [sflag:$0x2] =	stream.indirect.gather [hbm4b:s4+s18], $0x40, s18, s18, $0xb8;
	[tilespmem:$0x15900] =	vst v63  }
0x3f: {  	s29 =	simm.s32 $0x100;
	s31 =	simm.s32 $0x5900  }
0x40: {  	[tilespmem:s31], [sflag:$0x3] =	stream.indirect.gather [hbm4b:s4+s18], $0x40, s29, s18, $0xb8;
	[tilespmem:$0x15900] =	vst v63  }
0x41: {  	s24 =	simm.s32 $0x180;
	s26 =	simm.s32 $0x7900  }
0x42: {  	[tilespmem:s26], [sflag:$0x4] =	stream.indirect.gather [hbm4b:s4+s18], $0x40, s24, s18, $0xb8;
	[tilespmem:$0x15900] =	vst v63  }
0x43: {  	s29 =	simm.s32 $0x200;
	s31 =	simm.s32 $0x9900  }
0x44: {  	[tilespmem:s31], [sflag:$0x5] =	stream.indirect.gather [hbm4b:s4+s18], $0x40, s29, s18, $0xb8;
	[tilespmem:$0x15900] =	vst v63  }
0x45: {  	s24 =	simm.s32 $0x280;
	s26 =	simm.s32 $0xB900  }
0x46: {  	[tilespmem:s26], [sflag:$0x6] =	stream.indirect.gather [hbm4b:s4+s18], $0x40, s24, s18, $0xb8;
	[tilespmem:$0x15900] =	vst v63  }
0x47: {  	s29 =	simm.s32 $0x300;
	s31 =	simm.s32 $0xD900  }
0x48: {  	[tilespmem:s31], [sflag:$0x7] =	stream.indirect.gather [hbm4b:s4+s18], $0x40, s29, s18, $0xb8;
	[tilespmem:$0x15900] =	vst v63  }
0x49: {  	s21 =	simm.s32 $0x380;
	s24 =	simm.s32 $0xF900  }
0x4a: {  	[tilespmem:s24], [sflag:$0x8] =	stream.indirect.gather [hbm4b:s4+s18], $0x40, s21, s18, $0xb8;
	[tilespmem:$0x15900] =	vst v63  }
0x4b: {  	s26 =	simm.s32 $0x400;
	s29 =	simm.s32 $0x11900  }
0x4c: {  	[tilespmem:s29], [sflag:$0x9] =	stream.indirect.gather [hbm4b:s4+s18], $0x40, s26, s18, $0xb8;
	[tilespmem:$0x15900] =	vst v63  }
0x4d: {  	s31 =	simm.s32 $0x480;
	s24 =	rddreg [dreg:$0x1];
	s26 =	simm.s32 $0x0  }
0x4e: {  	[tilespmem:s25], [sflag:$0xA] =	stream.indirect.gather [hbm4b:s4+s18], $0x40, s31, s18, $0xb8;
	[tilespmem:$0x15900] =	vst v63  }
.LBB2_2:
0x4f: {  	_ =	swait.ge [sflag:s28], $0x2000  }
0x50: {  	s29 =	sadd.s32 s24, s16;
	[sflag:s28] =	ssyncset.done $0x0  }
0x51: {  	s0 =	simm.s32 $0x1900;
	p0 =	seq.s32 s26, $0x5000;
	[sflag:s28] =	ssyncadd.s32 $0xFFFFE000  }
0x52: {  	[hbm4b:s29+s3] =	stream.linear.scatter [tilespmem:s0], [sflag:$0xB], $0x2000, $0x38;
	[tilespmem:$0x15900] =	vst v63  }
0x53: {  	s29 =	simm.s32 @!p0 $0xB  }
0x54: {  	_ =	swait.ge @!p0 [sflag:s29], $0x2000  }
0x55: {  	[sflag:s29] =	ssyncset.done @!p0 $0x0  }
0x56: {  	[sflag:s29] =	ssyncadd.s32 @!p0 $0xFFFFE000;
	s29 =	sshra.s32 @!p0 s26, $0x2  }
0x57: {  	s31 =	simm.s32 @!p0 $0x80;
	s21 =	simm.s32 @!p0 $0x1900;
	s0 =	sadd.s32 @!p0 $0x500, s29  }
0x58: {  	[tilespmem:s21], [sflag:$0x1] =	stream.indirect.gather @!p0 [hbm4b:s4+s31], $0x40, s0, s31, $0xb8;
	[tilespmem:$0x15900] =	vst v63  }
0x59: {  	_ =	swait.ge [sflag:s30], $0x2000  }
0x5a: {  	[sflag:s30] =	ssyncset.done $0x0  }
0x5b: {  	s0 =	sadd.s32 s24, s15;
	s21 =	simm.s32 $0x3900;
	[sflag:s30] =	ssyncadd.s32 $0xFFFFE000  }
0x5c: {  	[hbm4b:s0+s3] =	stream.linear.scatter [tilespmem:s21], [sflag:$0xC], $0x2000, $0x38;
	[tilespmem:$0x15900] =	vst v63  }
0x5d: {  	s0 =	simm.s32 @!p0 $0xC  }
0x5e: {  	_ =	swait.ge @!p0 [sflag:s0], $0x2000  }
0x5f: {  	[sflag:s0] =	ssyncset.done @!p0 $0x0  }
0x60: {  	s21 =	simm.s32 @!p0 $0x3900;
	[sflag:s0] =	ssyncadd.s32 @!p0 $0xFFFFE000;
	s0 =	sadd.s32 @!p0 $0x580, s29  }
0x61: {  	[tilespmem:s21], [sflag:$0x2] =	stream.indirect.gather @!p0 [hbm4b:s4+s31], $0x40, s0, s31, $0xb8;
	[tilespmem:$0x15900] =	vst v63  }
0x62: {  	_ =	swait.ge [sflag:s1], $0x2000  }
0x63: {  	[sflag:s1] =	ssyncset.done $0x0  }
0x64: {  	s0 =	sadd.s32 s24, s14;
	s21 =	simm.s32 $0x5900;
	[sflag:s1] =	ssyncadd.s32 $0xFFFFE000  }
0x65: {  	[hbm4b:s0+s3] =	stream.linear.scatter [tilespmem:s21], [sflag:$0xD], $0x2000, $0x38;
	[tilespmem:$0x15900] =	vst v63  }
0x66: {  	s0 =	simm.s32 @!p0 $0xD  }
0x67: {  	_ =	swait.ge @!p0 [sflag:s0], $0x2000  }
0x68: {  	[sflag:s0] =	ssyncset.done @!p0 $0x0  }
0x69: {  	s21 =	simm.s32 @!p0 $0x5900;
	[sflag:s0] =	ssyncadd.s32 @!p0 $0xFFFFE000;
	s0 =	sadd.s32 @!p0 $0x600, s29  }
0x6a: {  	[tilespmem:s21], [sflag:$0x3] =	stream.indirect.gather @!p0 [hbm4b:s4+s31], $0x40, s0, s31, $0xb8;
	[tilespmem:$0x15900] =	vst v63  }
0x6b: {  	_ =	swait.ge [sflag:s2], $0x2000  }
0x6c: {  	[sflag:s2] =	ssyncset.done $0x0  }
0x6d: {  	s0 =	sadd.s32 s24, s13;
	s21 =	simm.s32 $0x7900;
	[sflag:s2] =	ssyncadd.s32 $0xFFFFE000  }
0x6e: {  	[hbm4b:s0+s3] =	stream.linear.scatter [tilespmem:s21], [sflag:$0xE], $0x2000, $0x38;
	[tilespmem:$0x15900] =	vst v63  }
0x6f: {  	s0 =	simm.s32 @!p0 $0xE  }
0x70: {  	_ =	swait.ge @!p0 [sflag:s0], $0x2000  }
0x71: {  	[sflag:s0] =	ssyncset.done @!p0 $0x0  }
0x72: {  	s21 =	simm.s32 @!p0 $0x7900;
	[sflag:s0] =	ssyncadd.s32 @!p0 $0xFFFFE000;
	s0 =	sadd.s32 @!p0 $0x680, s29  }
0x73: {  	[tilespmem:s21], [sflag:$0x4] =	stream.indirect.gather @!p0 [hbm4b:s4+s31], $0x40, s0, s31, $0xb8;
	[tilespmem:$0x15900] =	vst v63  }
0x74: {  	_ =	swait.ge [sflag:s23], $0x2000  }
0x75: {  	[sflag:s23] =	ssyncset.done $0x0  }
0x76: {  	s0 =	sadd.s32 s24, s12;
	s21 =	simm.s32 $0x9900;
	[sflag:s23] =	ssyncadd.s32 $0xFFFFE000  }
0x77: {  	[hbm4b:s0+s3] =	stream.linear.scatter [tilespmem:s21], [sflag:$0xF], $0x2000, $0x38;
	[tilespmem:$0x15900] =	vst v63  }
0x78: {  	s0 =	simm.s32 @!p0 $0xF  }
0x79: {  	_ =	swait.ge @!p0 [sflag:s0], $0x2000  }
0x7a: {  	[sflag:s0] =	ssyncset.done @!p0 $0x0  }
0x7b: {  	s21 =	simm.s32 @!p0 $0x9900;
	[sflag:s0] =	ssyncadd.s32 @!p0 $0xFFFFE000;
	s0 =	sadd.s32 @!p0 $0x700, s29  }
0x7c: {  	[tilespmem:s21], [sflag:$0x5] =	stream.indirect.gather @!p0 [hbm4b:s4+s31], $0x40, s0, s31, $0xb8;
	[tilespmem:$0x15900] =	vst v63  }
0x7d: {  	_ =	swait.ge [sflag:s5], $0x2000  }
0x7e: {  	[sflag:s5] =	ssyncset.done $0x0  }
0x7f: {  	s0 =	sadd.s32 s24, s11;
	s21 =	simm.s32 $0xB900;
	[sflag:s5] =	ssyncadd.s32 $0xFFFFE000  }
0x80: {  	[hbm4b:s0+s3] =	stream.linear.scatter [tilespmem:s21], [sflag:$0x10], $0x2000, $0x38;
	[tilespmem:$0x15900] =	vst v63  }
0x81: {  	s0 =	simm.s32 @!p0 $0x10  }
0x82: {  	_ =	swait.ge @!p0 [sflag:s0], $0x2000  }
0x83: {  	[sflag:s0] =	ssyncset.done @!p0 $0x0  }
0x84: {  	s21 =	simm.s32 @!p0 $0xB900;
	[sflag:s0] =	ssyncadd.s32 @!p0 $0xFFFFE000;
	s0 =	sadd.s32 @!p0 $0x780, s29  }
0x85: {  	[tilespmem:s21], [sflag:$0x6] =	stream.indirect.gather @!p0 [hbm4b:s4+s31], $0x40, s0, s31, $0xb8;
	[tilespmem:$0x15900] =	vst v63  }
0x86: {  	_ =	swait.ge [sflag:s6], $0x2000  }
0x87: {  	[sflag:s6] =	ssyncset.done $0x0  }
0x88: {  	s0 =	sadd.s32 s24, s10;
	s21 =	simm.s32 $0xD900;
	[sflag:s6] =	ssyncadd.s32 $0xFFFFE000  }
0x89: {  	[hbm4b:s0+s3] =	stream.linear.scatter [tilespmem:s21], [sflag:$0x11], $0x2000, $0x38;
	[tilespmem:$0x15900] =	vst v63  }
0x8a: {  	s0 =	simm.s32 @!p0 $0x11  }
0x8b: {  	_ =	swait.ge @!p0 [sflag:s0], $0x2000  }
0x8c: {  	[sflag:s0] =	ssyncset.done @!p0 $0x0  }
0x8d: {  	s21 =	simm.s32 @!p0 $0xD900;
	[sflag:s0] =	ssyncadd.s32 @!p0 $0xFFFFE000;
	s0 =	sadd.s32 @!p0 $0x800, s29  }
0x8e: {  	[tilespmem:s21], [sflag:$0x7] =	stream.indirect.gather @!p0 [hbm4b:s4+s31], $0x40, s0, s31, $0xb8;
	[tilespmem:$0x15900] =	vst v63  }
0x8f: {  	_ =	swait.ge [sflag:s17], $0x2000  }
0x90: {  	[sflag:s17] =	ssyncset.done $0x0  }
0x91: {  	s0 =	sadd.s32 s24, s9;
	s21 =	simm.s32 $0xF900;
	[sflag:s17] =	ssyncadd.s32 $0xFFFFE000  }
0x92: {  	[hbm4b:s0+s3] =	stream.linear.scatter [tilespmem:s21], [sflag:$0x12], $0x2000, $0x38;
	[tilespmem:$0x15900] =	vst v63  }
0x93: {  	s0 =	simm.s32 @!p0 $0x12  }
0x94: {  	_ =	swait.ge @!p0 [sflag:s0], $0x2000  }
0x95: {  	[sflag:s0] =	ssyncset.done @!p0 $0x0  }
0x96: {  	s21 =	simm.s32 @!p0 $0xF900;
	[sflag:s0] =	ssyncadd.s32 @!p0 $0xFFFFE000;
	s0 =	sadd.s32 @!p0 $0x880, s29  }
0x97: {  	[tilespmem:s21], [sflag:$0x8] =	stream.indirect.gather @!p0 [hbm4b:s4+s31], $0x40, s0, s31, $0xb8;
	[tilespmem:$0x15900] =	vst v63  }
0x98: {  	_ =	swait.ge [sflag:s19], $0x2000  }
0x99: {  	[sflag:s19] =	ssyncset.done $0x0  }
0x9a: {  	s0 =	sadd.s32 s24, s8;
	s21 =	simm.s32 $0x11900;
	[sflag:s19] =	ssyncadd.s32 $0xFFFFE000  }
0x9b: {  	[hbm4b:s0+s3] =	stream.linear.scatter [tilespmem:s21], [sflag:$0x13], $0x2000, $0x38;
	[tilespmem:$0x15900] =	vst v63  }
0x9c: {  	s0 =	simm.s32 @!p0 $0x13  }
0x9d: {  	_ =	swait.ge @!p0 [sflag:s0], $0x2000  }
0x9e: {  	[sflag:s0] =	ssyncset.done @!p0 $0x0  }
0x9f: {  	s21 =	simm.s32 @!p0 $0x11900;
	[sflag:s0] =	ssyncadd.s32 @!p0 $0xFFFFE000;
	s0 =	sadd.s32 @!p0 $0x900, s29  }
0xa0: {  	[tilespmem:s21], [sflag:$0x9] =	stream.indirect.gather @!p0 [hbm4b:s4+s31], $0x40, s0, s31, $0xb8;
	[tilespmem:$0x15900] =	vst v63  }
.Ltmp2:
0xa1: {  	_ = 	snop;
	(pc) =	sbr.rel @p0 .LBB2_4-.Ltmp2, $4  }
0xa2: {  	_ =	swait.ge [sflag:s20], $0x2000  }
0xa3: {  	[sflag:s20] =	ssyncset.done $0x0  }
0xa4: {  	s31 =	sadd.s32 s24, s7;
	[sflag:s20] =	ssyncadd.s32 $0xFFFFE000  }
0xa5: {  	[hbm4b:s31+s3] =	stream.linear.scatter [tilespmem:s25], [sflag:$0x14], $0x2000, $0x38;
	[tilespmem:$0x15900] =	vst v63  }
.Ltmp3:
0xa6: {  	(pc) =	sbr.rel .LBB2_2-.Ltmp3, $4  }
0xa7: {  	_ =	swait.ge [sflag:s22], $0x2000  }
0xa8: {  	s0 =	sshra.s32 s26, $0x2;
	s26 =	sadd.s32 $0x1400, s26;
	[sflag:s22] =	ssyncset.done $0x0  }
0xa9: {  	s24 =	sadd.s32 $0x2800, s24;
	s0 =	sadd.s32 $0x980, s0;
	[sflag:s22] =	ssyncadd.s32 $0xFFFFE000  }
0xaa: {  	[tilespmem:s25], [sflag:$0xA] =	stream.indirect.gather [hbm4b:s4+s18], $0x40, s0, s18, $0xb8;
	[tilespmem:$0x15900] =	vst v63  }
.LBB2_5:
0xab: {  	_ =	sfence.sel $0x180000  }
0xac: {  	[bflag:$0x0] =	sbarrier.arrive $0xFFFF  }
0xad: {  	_ =	strace $0x90000047  }
0xae: {  	s0 =	stileid.u32;
	[bflag:$0x2] =	sbarrier.arrive $0xFFFF  }
0xaf: {  	p0 =	sne.s32 s0, $0x0;
	s0 =	rddreg [dreg:$0x2]  }
0xb0: {  	s0 =	sadd.s32 @!p0 $0x100000, s0  }
0xb1: {  	[sflag:s0] =	ssyncadd.tile.s32 @!p0 $0x1;
	_ =	shalt  }
.Lfunc_end2:
_tile_overlayer_lowered:
.L_overlay_start_2:
0xb2: {  	(tag) =	ssettag $0x2  }
0xb3: {  	s0 =	rddreg [dreg:$0x0];
	s2 =	stileid.u32  }
0xb4: {  	s1 =	rddreg [dreg:$0x1];
	p0 =	sne.s32 s2, $0x0  }
0xb5: {  	s3 =	rddreg [dreg:$0x2];
	[bflag:$0x3] =	sbarrier.arrive $0xFFFF;
	s2 =	simm.s32 @!p0 $0x1C15  }
0xb6: {  	[timem:s3], [sflag:s2] =	dma.local @!p0 [hbm:s0], s1  }
0xb7: {  	s0 =	simm.s32 @!p0 $0x15  }
0xb8: {  	_ =	swait.ge @!p0 [sflag:s0], s1  }
0xb9: {  	s1 =	ssub.s32 @!p0 $0x0, s1;
	[sflag:s0] =	ssyncset.done @!p0 $0x0  }
0xba: {  	[sflag:s0] =	ssyncadd.s32 @!p0 s1  }
0xbb: {  	[bflag:$0x3] =	sbarrier.arrive $0xFFFF  }
0xbc: {  	_ =	shalt  }

// kernel: sparse-core-data-format-call.cloned.1.call-start
scs
called_computation_lowered:
.L_overlay_start_0:
0x0: {  	s2 =	sld [smem:$0x3FD9]  }
0x1: {  	s3 =	sld [smem:$0x3FFE];
	_ =	sdelay $0x1  }
0x2: {  	s1 =	srdreg.scid  }
0x3: {  	s0 =	sand.u32 $0x1, s1  }
0x4: {  	s18 =	sshll.u32 s0, $0xA;
	s2 =	sadd.s32 s3, s2  }
0x5: {  	s2 =	sadd.s32 s2, s18  }
0x6: {  	[smem:$0x3FC6] =	sst s2  }
0x7: {  	_ = 	snop  }
0x8: {  	s2 =	sld [smem:$0x3FD0];
	(tm) =	ssettm $0x1  }
0x9: {  	s19 =	sld [smem:$0x3FFB];
	_ =	sdelay $0x3  }
0xa: {  	_ =	strace s19  }
0xb: {  	s3 =	sld [smem:$0x3FFC];
	_ =	sdelay $0x3  }
0xc: {  	_ =	strace s3  }
0xd: {  	s3 =	sld [smem:$0x3FFD];
	_ =	sdelay $0x3  }
0xe: {  	_ =	strace s3  }
0xf: {  	_ =	strace $0x8FFFFFFF  }
0x10: {  	s20 =	sld [smem:$0x3FDB];
	_ =	sdelay $0x1  }
0x11: {  	s4 =	simm.s32 $_scs_section_size  }
0x12: {  	s5 =	simm.s32 $_size__tile_overlayer_lowered;
	s6 =	simm.s32 $_tile_overlayer_lowered  }
0x13: {  	s23 =	simm.s32 $0x1BFF;
	s22 =	sshll.u32 s6, $0x1;
	s3 =	sadd.s32 s4, s20  }
0x14: {  	s7 =	simm.s32 $0x0;
	s21 =	sshll.u32 s5, $0x1;
	s5 =	sadd.s32 s22, s3  }
0x15: {  	[timem:s7], [sflag:s23] =	dma.local [hbm:s5], s21  }
0x16: {  	_ =	swait.ge [sflag:s23], s21  }
0x17: {  	s4 =	ssub.s32 $0x0, s21;
	[sflag:s23] =	ssyncset.done $0x0  }
0x18: {  	[sflag:s23] =	ssyncadd.s32 s4;
	_ =	sdelay $0x1  }
0x19: {  	s24 =	simm.s32 $0x1B8B  }
0x1a: {  	_ =	swait.ge [sflag:s24], $0x1  }
0x1b: {  	[sflag:s24] =	ssyncset.done $0x0  }
0x1c: {  	s26 =	simm.s32 $0x1B8E;
	s25 =	sld [smem:$0x3FFE];
	[sflag:s24] =	ssyncadd.s32 $0xFFFFFFFF  }
0x1d: {  	s27 =	simm.s32 $execute0_lowered;
	[smem:$0x3FD2] =	sst s26  }
0x1e: {  	s5 =	sshll.u32 s27, $0x1;
	_ =	strace $0x80000049;
	[dreg:$0x1] =	wrdreg $0xFFFFFFFF  }
0x1f: {  	s28 =	simm.s32 $_size_execute0_lowered;
	s3 =	sadd.s32 s3, s5;
	[dreg:$0x0] =	wrdreg $0x0  }
0x20: {  	s5 =	sshll.u32 s28, $0x1;
	[dreg:$0x2] =	wrdreg s3  }
0x21: {  	[dreg:$0x3] =	wrdreg s5  }
0x22: {  	[dreg:$0x4] =	wrdreg $0xC0  }
0x23: {  	_ =	task [dreg:s7], $0x5FFFF  }
0x24: {  	[dreg:$0x1] =	wrdreg $0xFFFFFFFF  }
0x25: {  	[dreg:$0x0] =	wrdreg $0x60  }
0x26: {  	[dreg:$0x2] =	wrdreg s25  }
0x27: {  	[dreg:$0x3] =	wrdreg s2  }
0x28: {  	[dreg:$0x4] =	wrdreg $0x9  }
0x29: {  	_ =	task.clear_ibuf [dreg:s7], $0x5FFFF;
	_ =	strace $0x90000049  }
0x2a: {  	s29 =	simm.s32 $0x9;
	_ =	strace $0x8000004B  }
0x2b: {  	_ =	swait.ge [sflag:s29], $0x1  }
0x2c: {  	[sflag:s29] =	ssyncadd.s32 $0xFFFFFFFF  }
0x2d: {  	_ =	strace $0x9000004B  }
0x2e: {  	_ =	sfence  }
0x2f: {  	s30 =	sld [smem:$0x0];
	_ =	sdelay $0x2  }
0x30: {  	s31 =	sshll.u32 s1, $0xD;
	s1 =	sshrl.u32 s1, $0x2  }
0x31: {  	s3 =	sand.u32 $0x4000, s31;
	s1 =	sadd.s32 s1, s30  }
0x32: {  	s0 =	sor.u32 s3, s0;
	s1 =	sshll.u32 s1, $0x11  }
0x33: {  	s0 =	sor.u32 s1, s0  }
0x34: {  	s0 =	sadd.s32 $0x8F2B, s0  }
0x35: {  	[sflag:s0] =	ssyncadd.remote.s32 $0x1  }
0x36: {  	_ =	sfence.sel $0xFFFF  }
0x37: {  	[dreg:$0x0] =	wrdreg $0xFFFFFFFF;
	(pc) =	sbr.abs _section_cstart, $3  }
0x38: {  	[dreg:$0x1] =	wrdreg $0xFFFFFFFF  }
0x39: {  	_ =	task.clear_ibuf [dreg:s7], $0x2FFFF;
	_ =	strace $0x9FFFFFFF  }
0x3a: {  	(tm) =	ssettm $0x7FFFFFFF  }
0x3b: {  	_ =	shalt  }
tec
execute0_lowered:
.L_overlay_start_1:
0x0: {  	(tag) =	ssettag $0x1  }
0x1: {  	s0 =	srdreg.scid  }
0x2: {  	s1 =	sshll.u32 s0, $0x4  }
0x3: {  	s0 =	stileid.u32;
	s1 =	sand.u32 $0x10, s1  }
0x4: {  	s1 =	sor.u32 s0, s1  }
0x5: {  	s6 =	rddreg [dreg:$0x0];
	s4 =	simm.s32 $0x1;
	s2 =	sshll.u32 s1, $0x7  }
0x6: {  	s7 =	simm.s32 $0x2;
	s12 =	simm.s32 $0x0;
	s1 =	ssub.s32 $0x1000, s2  }
0x7: {  	s8 =	simm.s32 $0x8000;
	s13 =	simm.s32 $0x0;
	s3 =	sand.u32 $0xF80, s1  }
0x8: {  	s9 =	simm.s32 $0x0;
	s5 =	sshrl.u32 s1, $0xC;
	p0 =	sne.s32 s3, $0x0  }
.Ltmp0:
0x9: {  	s1 =	rddreg [dreg:$0x2];
	s4 =	simm.s32 @!p0 $0x0;
	(pc) =	sbr.rel .LBB1_1-.Ltmp0, $4  }
0xa: {  	s11 =	simm.s32 $0x0;
	s3 =	rddreg [dreg:$0x1];
	s5 =	sadd.s32 s4, s5  }
0xb: {  	_ =	strace $0x8000004A;
	s4 =	simm.s32 $0x1;
	s5 =	smul.u32 $0x32, s5  }
0xc: {  	s6 =	sadd.s32 $0xA00, s6;
	s10 =	smov.u32 s2;
	[sflag:s4] =	ssyncpa.u1 $0x0  }
0xd: {  	p0 =	por $0x0, $0x0;
	[sflag:s7] =	ssyncpa.u1 $0x0;
	s7 =	sor.u32 $0x1, s5  }
.LBB1_4:
0xe: {  	s16 =	sshll.u32 s13, $0x3;
	s17 =	sand.u32 $0x78, s13  }
0xf: {  	s30 =	sand.u32 $0x7E00, s13;
	s12 =	sshll.u32 s12, $0xF;
	s16 =	sand.u32 $0xC00, s16  }
0x10: {  	[tilespmem:s15+$0x810 ss:$0x81] =	vst.msk $0xffff, v2;
	s31 =	sand.u32 $0x7, s13;
	s16 =	sor.u32 s17, s16;
	s17 =	sadd.s32 s3, s30  }
0x11: {  	[tilespmem:s15+$0x1020 ss:$0x81] =	vst.msk $0xffff, v0;
	s13 =	sshll.u32 s31, $0x12;
	s12 =	sadd.s32 s12, s17;
	s16 =	sshrl.u32 s16, $0x3  }
0x12: {  	[tilespmem:s15+$0x0 ss:$0x81] =	vst.msk $0xffff, v1;
	s13 =	sor.u32 $0x400, s13;
	s12 =	sadd.s32 s16, s12  }
0x13: {  	[hbm4b:s12+s13] =	stream.strided.scatter [tilespmem:s14], [sflag:$0x2], $0x2000, s8, s13, $0x20;
	[tilespmem:$0x8080] =	vst v63  }
.LBB1_5:
0x14: {  	s14 =	sadd.s32 $0x1, s9  }
0x15: {  	s12 =	sadd.s32 $0x1000, s10;
	s16 =	smov.u32 s10;
	p2 =	sgt.s32 s14, $0x31  }
0x16: {  	s16 =	smov.u32 @p2 s12  }
0x17: {  	s14 =	simm.s32 @p2 $0x0;
	p2 =	sgt.s32 s16, $0xFFF  }
0x18: {  	s16 =	smov.u32 @p2 s2;
	p2 =	sne.s32 s11, s7  }
.Ltmp1:
0x19: {  	p1 =	slt.u32 s11, $0x2;
	(pc) =	sbr.rel @!p2 .LBB1_6-.Ltmp1, $4  }
0x1a: {  	s15 =	simm.s32 @!p1 $0x2  }
0x1b: {  	s13 =	smov.u32 s10;
	p0 =	por !p0, !p0;
	_ =	swait.ge @!p1 [sflag:s15], $0x2000  }
0x1c: {  	s12 =	smov.u32 s9;
	[sflag:s15] =	ssyncset.done @!p1 $0x0;
	s9 =	smov.u32 s14  }
0x1d: {  	s11 =	sadd.s32 $0x1, s11;
	[sflag:s15] =	ssyncadd.s32 @!p1 $0xFFFFE000;
	s10 =	smov.u32 s16  }
.LBB1_1:
0x1e: {  	p1 =	sge.u32 s11, s5  }
0x1f: {  	s14 =	sand.u32 @!p1 $0x1FFFFFF, s9  }
0x20: {  	s15 =	smulhi.u32 @!p1 $0x4924925, s14;
	_ =	sdelay $0x1  }
0x21: {  	s15 =	smul.u32 @!p1 $0x38, s15  }
0x22: {  	s16 =	sxor.u32 @!p1 $0xFFFFFFFF, s11;
	s17 =	smul.u32 @!p1 $0x380, s10  }
0x23: {  	s31 =	sadd.s32 $0xFFFFFFFF, s11;
	s16 =	sshll.u32 @!p1 s16, $0xD;
	s14 =	ssub.s32 @!p1 s14, s15  }
0x24: {  	s15 =	sand.u32 @!p1 $0x2000, s16;
	s16 =	sadd.s32 @!p1 s6, s17;
	s14 =	sshll.u32 @!p1 s14, $0x4  }
0x25: {  	s17 =	simm.s32 @!p1 $0x1C00;
	s14 =	sadd.s32 @!p1 s14, s16;
	s16 =	simm.s32 @!p1 $0x40  }
0x26: {  	[tilespmem:s15], [sflag:$0x1] =	stream.strided.gather @!p1 [hbm4b:s14+s16], $0x2000, s17, s16, $0x38;
	[tilespmem:$0x8080] =	vst v63  }
0x27: {  	p1 =	sge.u32 s31, s5  }
.Ltmp2:
0x28: {  	_ = 	snop;
	(pc) =	sbr.rel @p1 .LBB1_5-.Ltmp2, $1  }
0x29: {  	_ =	sdelay $0x3  }
0x2a: {  	s14 =	simm.s32 $0x1  }
0x2b: {  	_ =	swait.ge [sflag:s4], $0x2000;
	s14 =	simm.s32 @!p0 $0x0  }
0x2c: {  	[sflag:s4] =	ssyncset.done $0x0;
	s15 =	sshll.u32 s14, $0xD  }
0x2d: {  	[sflag:s4] =	ssyncadd.s32 $0xFFFFE000;
	s18 =	sor.u32 $0x20, s15  }
0x2e: {  	s14 =	smul.u32 $0x8100, s14;
	v3 =	vld [tilespmem:s18+$0x10]  }
0x2f: {  	s30 =	sand.u32 $0x1, s11;
	v2 =	vld [tilespmem:s18+$0xFFFFFFF0]  }
0x30: {  	s15 =	smul.u32 $0x8100, s30;
	s14 =	sshrl.u32 s14, $0x2;
	v0 =	vld [tilespmem:s18+$0x0]  }
0x31: {  	v1 =	vld [tilespmem:s18+$0xFFFFFFE0];
	s16 =	sor.u32 $0x4000, s14  }
0x32: {  	s31 =	sshrl.u32 s15, $0x2;
	s15 =	sadd.s32 $0x0, s16  }
0x33: {  	s17 =	simm.s32 $0x4;
	s18 =	sadd.s32 $0x40, s18;
	s14 =	sor.u32 $0x4000, s31;
	[tilespmem:s15+$0x1830 ss:$0x81] =	vst.msk $0xffff, v3  }
.LBB1_3:
0x34: {  	v3 =	vld [tilespmem:s18+$0x10];
	p1 =	sne.s32 s17, $0x1FC;
	[tilespmem:s15+$0x810 ss:$0x81] =	vst.msk $0xffff, v2;
	s19 =	smov.u32 s17;
	s17 =	sadd.s32 $0x4, s17  }
.Ltmp3:
0x35: {  	v2 =	vld [tilespmem:s18+$0xFFFFFFF0];
	[tilespmem:s15+$0x1020 ss:$0x81] =	vst.msk $0xffff, v0;
	(pc) =	sbr.rel @p1 .LBB1_3-.Ltmp3, $4  }
0x36: {  	v0 =	vld [tilespmem:s18+$0x0];
	[tilespmem:s15+$0x0 ss:$0x81] =	vst.msk $0xffff, v1  }
0x37: {  	s15 =	sshra.s32 s19, $0x2;
	v1 =	vld [tilespmem:s18+$0xFFFFFFE0]  }
0x38: {  	s15 =	sadd.s32 s15, s16  }
0x39: {  	s18 =	sadd.s32 $0x40, s18;
	[tilespmem:s15+$0x1830 ss:$0x81] =	vst.msk $0xffff, v3  }
.Ltmp4:
0x3a: {  	_ = 	snop;
	(pc) =	sbr.rel .LBB1_4-.Ltmp4, $1  }
0x3b: {  	_ =	sdelay $0x3  }
.LBB1_6:
0x3c: {  	_ =	sfence.sel $0x180000  }
0x3d: {  	s2 =	simm.s32 $0x1;
	[bflag:$0x0] =	sbarrier.arrive $0xFFFF  }
0x3e: {  	s31 =	simm.s32 $0x2;
	[sflag:s2] =	ssyncpa.u1 $0x1  }
0x3f: {  	[sflag:s31] =	ssyncpa.u1 $0x1  }
0x40: {  	p0 =	sne.s32 s0, $0x0;
	_ =	strace $0x9000004A  }
0x41: {  	s0 =	sadd.s32 @!p0 $0x100000, s1;
	[bflag:$0x2] =	sbarrier.arrive $0xFFFF  }
0x42: {  	[sflag:s0] =	ssyncadd.tile.s32 @!p0 $0x1;
	_ =	shalt  }
.Lfunc_end1:
_tile_overlayer_lowered:
.L_overlay_start_2:
0x43: {  	(tag) =	ssettag $0x2  }
0x44: {  	s0 =	rddreg [dreg:$0x0];
	s2 =	stileid.u32  }
0x45: {  	s1 =	rddreg [dreg:$0x1];
	p0 =	sne.s32 s2, $0x0  }
0x46: {  	s3 =	rddreg [dreg:$0x2];
	[bflag:$0x3] =	sbarrier.arrive $0xFFFF;
	s2 =	simm.s32 @!p0 $0x1C01  }
0x47: {  	[timem:s3], [sflag:s2] =	dma.local @!p0 [hbm:s0], s1  }
0x48: {  	s0 =	simm.s32 @!p0 $0x1  }
0x49: {  	_ =	swait.ge @!p0 [sflag:s0], s1  }
0x4a: {  	s1 =	ssub.s32 @!p0 $0x0, s1;
	[sflag:s0] =	ssyncset.done @!p0 $0x0  }
0x4b: {  	[sflag:s0] =	ssyncadd.s32 @!p0 s1  }
0x4c: {  	[bflag:$0x3] =	sbarrier.arrive $0xFFFF  }
0x4d: {  	_ =	shalt  }

</sc_bundles>
